<compile_context>
chip_gen: v7x
topology: tpu7x:2x2x1
jax: 0.10.2.dev20260603
libtpu: 0.0.44.dev20260713+nightly
codegen_flags: <defaults>
</compile_context>

<pallas_src>
import functools

import jax
import jax.numpy as jnp
from jax import lax
from jax.experimental import pallas as pl
from jax.experimental.pallas import tpu as pltpu
from jax.experimental.pallas import tpu_sc as plsc

VOCAB = 100000
EMBED = 128
BATCH = 4096
SEQ = 200

HALF = 51200
TC_BLOCK = 5120
N_BLOCKS = HALF // TC_BLOCK
SCORES_PAD = 2 * HALF


def _scores_body(w_ref, b_ref, emb_lo_ref, emb_hi_ref, out_ref):
    def score_bits(emb_ref):
        s = lax.dot_general(
            w_ref[...], emb_ref[...],
            dimension_numbers=(((0,), (1,)), ((), ())),
            preferred_element_type=jnp.float32,
        )
        s = (s + b_ref[0]) * (1.0 / SEQ)
        return lax.bitcast_convert_type(s, jnp.int32) + 0x8000

    lo = jnp.right_shift(score_bits(emb_lo_ref), 16) & 0xFFFF
    hi = score_bits(emb_hi_ref) & jnp.int32(-65536)
    out_ref[...] = (hi | lo).reshape(TC_BLOCK)


def _compute_scores(emb_table, W, b):
    return pl.pallas_call(
        _scores_body,
        grid=(N_BLOCKS,),
        in_specs=[
            pl.BlockSpec((EMBED, 1), lambda i: (0, 0)),
            pl.BlockSpec((1,), lambda i: (0,)),
            pl.BlockSpec((TC_BLOCK, EMBED), lambda i: (i, 0)),
            pl.BlockSpec((TC_BLOCK, EMBED), lambda i: (i + N_BLOCKS, 0)),
        ],
        out_specs=pl.BlockSpec((TC_BLOCK,), lambda i: (i,)),
        out_shape=jax.ShapeDtypeStruct((HALF,), jnp.int32),
    )(W, b, emb_table, emb_table)


NUM_WORKERS = 32
ROWS_PER = BATCH // NUM_WORKERS
IDX_PER = ROWS_PER * SEQ
LANES = 16
GROUPS = ROWS_PER // LANES

_mesh = plsc.VectorSubcoreMesh(core_axis_name="c", subcore_axis_name="s")

_CHUNK_STARTS = tuple(16 * c for c in range(SEQ // 16)) + (SEQ - 16,)


@functools.partial(
    pl.kernel,
    mesh=_mesh,
    out_type=jax.ShapeDtypeStruct((BATCH * SEQ,), jnp.int32),
    scratch_types=[
        pltpu.VMEM((ROWS_PER, SEQ), jnp.int32),
        pltpu.VMEM((IDX_PER,), jnp.int32),
    ],
    compiler_params=pltpu.CompilerParams(needs_layout_passes=False),
)
def _flatten_kernel(text_hbm, out_hbm, t2_v, flat_v):
    wid = lax.axis_index("s") * 2 + lax.axis_index("c")
    pltpu.sync_copy(text_hbm.at[pl.ds(wid * ROWS_PER, ROWS_PER), :], t2_v)

    def body(r, carry):
        rb = r * SEQ
        for c0 in _CHUNK_STARTS:
            flat_v[pl.ds(rb + c0, LANES)] = t2_v[r, pl.ds(c0, LANES)]
        return carry

    lax.fori_loop(0, ROWS_PER, body, 0)
    pltpu.sync_copy(flat_v, out_hbm.at[pl.ds(wid * IDX_PER, IDX_PER)])


@functools.partial(
    pl.kernel,
    mesh=_mesh,
    out_type=jax.ShapeDtypeStruct((BATCH,), jnp.float32),
    scratch_types=[
        pltpu.VMEM((HALF,), jnp.int32),
        pltpu.VMEM((IDX_PER,), jnp.int32),
        pltpu.VMEM((ROWS_PER,), jnp.float32),
        pltpu.SemaphoreType.DMA,
        pltpu.SemaphoreType.DMA,
    ],
    compiler_params=pltpu.CompilerParams(needs_layout_passes=False),
)
def _pool_kernel(scores_hbm, text_hbm, out_hbm, scores_v, idx_v, out_v,
                 idx_sem, sc_sem):
    wid = lax.axis_index("s") * 2 + lax.axis_index("c")
    base = wid * IDX_PER
    idx_cp = pltpu.async_copy(text_hbm.at[pl.ds(base, IDX_PER)], idx_v, idx_sem)
    sc_cp = pltpu.async_copy(scores_hbm, scores_v, sc_sem)
    idx_cp.wait()
    sc_cp.wait()
    row_stride = jnp.arange(LANES, dtype=jnp.int32) * SEQ
    zeros = jnp.zeros((LANES,), jnp.float32)
    group_pos = [row_stride + g * LANES * SEQ for g in range(GROUPS)]

    mask_hi = jnp.int32(-65536)

    def body(l, accs):
        out = []
        for g in range(GROUPS):
            pos = group_pos[g] + l
            idx = plsc.load_gather(idx_v, [pos])
            in_hi = idx >= HALF
            k = idx - jnp.where(in_hi, HALF, 0)
            w = plsc.load_gather(scores_v, [k])
            bits = jnp.where(in_hi, w & mask_hi, w << 16)
            out.append(accs[g] + plsc.bitcast(bits, jnp.float32))
        return tuple(out)

    accs = lax.fori_loop(0, SEQ, body, (zeros,) * GROUPS)
    for g in range(GROUPS):
        out_v[pl.ds(g * LANES, LANES)] = accs[g]

    pltpu.sync_copy(out_v, out_hbm.at[pl.ds(wid * ROWS_PER, ROWS_PER)])


def kernel(text, emb_table, W, b):
    text_flat = _flatten_kernel(text.astype(jnp.int32))
    scores = _compute_scores(emb_table, W, b)
    out = _pool_kernel(scores, text_flat)
    return out.reshape(BATCH, 1)

# --- scband reference (transcript-rebuilt; emitter-appended) ---
"""Pipeline reference for scband-text-classification-model-64415919505771 (READ-ONLY COPY).

The authoritative reference and input builder live on the scoring server;
editing this copy changes nothing except your own understanding.
"""

import jax, jax.numpy as jnp
import numpy as np

VOCAB = 100000
EMBED = 128
B = 4096
L = 200

def setup_inputs(seed: int = 0) -> dict:
    key = jax.random.key(seed)
    k1, k2, k3, k4 = jax.random.split(key, 4)
    text = jax.random.randint(k1, (B, L), 0, VOCAB, dtype=jnp.int64)
    emb_table = jax.random.normal(k2, (VOCAB, EMBED), dtype=jnp.float32)
    bound = 1.0 / np.sqrt(EMBED)
    W = jax.random.uniform(k3, (EMBED, 1), dtype=jnp.float32, minval=-bound, maxval=bound)
    b = jax.random.uniform(k4, (1,), dtype=jnp.float32, minval=-bound, maxval=bound)
    return {"text": text, "emb_table": emb_table, "W": W, "b": b}

def reference(text, emb_table, W, b):
    # embedding lookup: [B, L, 128]
    embedded = jnp.take(emb_table, text, axis=0)
    # F.avg_pool2d with kernel (L, 1) on [B, L, 128] == mean over the L axis -> [B, 128]
    pooled = jnp.mean(embedded, axis=1)
    # linear1: 128 -> 1
    return pooled @ W + b

if __name__ == "__main__":
    import jax
    _d = setup_inputs()
    print(jax.jit(kernel)(*tuple(_d.values())))

</pallas_src>

<mosaic_0001>
#map = affine_map<(d0, d1) -> (0)>
module attributes {stable_mosaic.version = 14 : i64} {
  func.func @_pool_kernel(%arg0: i32, %arg1: i32, %arg2: memref<51200xi32, #tpu.memory_space<hbm>>, %arg3: memref<819200xi32, #tpu.memory_space<hbm>>, %arg4: memref<4096xf32, #tpu.memory_space<hbm>>, %arg5: memref<51200xi32, #tpu.memory_space<vmem>>, %arg6: memref<25600xi32, #tpu.memory_space<vmem>>, %arg7: memref<128xf32, #tpu.memory_space<vmem>>, %arg8: memref<!tpu.dma_semaphore, #tpu.memory_space<semaphore_mem>>, %arg9: memref<!tpu.dma_semaphore, #tpu.memory_space<semaphore_mem>>) attributes {dimension_semantics = [#tpu.dimension_semantics<core_parallel>, #tpu.dimension_semantics<subcore_parallel>], iteration_bounds = array<i64: 2, 16>, scalar_prefetch = 0 : i64, scratch_operands = 5 : i64, tpu.core_type = #tpu.core_type<sc_vector_subcore>, window_params = [{transform_indices = #map}, {transform_indices = #map}, {transform_indices = #map}]} {
    %mul3A = arith.constant 2 : i32
    %mul3A_0 = arith.muli %arg1, %mul3A : i32
    %add3A = arith.addi %mul3A_0, %arg0 : i32
    %mul3A_1 = arith.constant 25600 : i32
    %mul3A_2 = arith.muli %add3A, %mul3A_1 : i32
    %dma_start3A = tpu.memref_slice %arg3[%mul3A_2] : memref<819200xi32, #tpu.memory_space<hbm>> -> memref<25600xi32, #tpu.memory_space<hbm>>
    %dma_start3A_3 = tpu.memref_slice %arg3[%mul3A_2] : memref<819200xi32, #tpu.memory_space<hbm>> -> memref<25600xi32, #tpu.memory_space<hbm>>
    tpu.enqueue_dma source(%dma_start3A_3 : memref<25600xi32, #tpu.memory_space<hbm>>) target(%arg6 : memref<25600xi32, #tpu.memory_space<vmem>>) target_semaphore(%arg8 : memref<!tpu.dma_semaphore, #tpu.memory_space<semaphore_mem>>)
    tpu.enqueue_dma source(%arg2 : memref<51200xi32, #tpu.memory_space<hbm>>) target(%arg5 : memref<51200xi32, #tpu.memory_space<vmem>>) target_semaphore(%arg9 : memref<!tpu.dma_semaphore, #tpu.memory_space<semaphore_mem>>)
    %dma_wait3A = tpu.memref_slice %arg3[%mul3A_2] : memref<819200xi32, #tpu.memory_space<hbm>> -> memref<25600xi32, #tpu.memory_space<hbm>>
    %dma_wait3A_4 = tpu.memref_slice %arg3[%mul3A_2] : memref<819200xi32, #tpu.memory_space<hbm>> -> memref<25600xi32, #tpu.memory_space<hbm>>
    tpu.wait_dma2 semaphore(%arg8 : memref<!tpu.dma_semaphore, #tpu.memory_space<semaphore_mem>>) src(%dma_wait3A_4 : memref<25600xi32, #tpu.memory_space<hbm>>) dst(%arg6 : memref<25600xi32, #tpu.memory_space<vmem>>)
    tpu.wait_dma2 semaphore(%arg9 : memref<!tpu.dma_semaphore, #tpu.memory_space<semaphore_mem>>) src(%arg2 : memref<51200xi32, #tpu.memory_space<hbm>>) dst(%arg5 : memref<51200xi32, #tpu.memory_space<vmem>>)
    %iota3A = tpu.iota {dimensions = array<i32: 0>} : vector<16xi32>
    %mul3A_5 = arith.constant 200 : i32
    %mul3A_6 = vector.broadcast %mul3A_5 : i32 to vector<16xi32>
    %mul3A_7 = arith.muli %iota3A, %mul3A_6 : vector<16xi32>
    %broadcast_in_dim3A = arith.constant 0.000000e+00 : f32
    %broadcast_in_dim3A_8 = vector.broadcast %broadcast_in_dim3A : f32 to vector<16xf32>
    %add3A_9 = arith.constant 0 : i32
    %add3A_10 = vector.broadcast %add3A_9 : i32 to vector<16xi32>
    %add3A_11 = arith.addi %mul3A_7, %add3A_10 : vector<16xi32>
    %add3A_12 = arith.constant 3200 : i32
    %add3A_13 = vector.broadcast %add3A_12 : i32 to vector<16xi32>
    %add3A_14 = arith.addi %mul3A_7, %add3A_13 : vector<16xi32>
    %add3A_15 = arith.constant 6400 : i32
    %add3A_16 = vector.broadcast %add3A_15 : i32 to vector<16xi32>
    %add3A_17 = arith.addi %mul3A_7, %add3A_16 : vector<16xi32>
    %add3A_18 = arith.constant 9600 : i32
    %add3A_19 = vector.broadcast %add3A_18 : i32 to vector<16xi32>
    %add3A_20 = arith.addi %mul3A_7, %add3A_19 : vector<16xi32>
    %add3A_21 = arith.constant 12800 : i32
    %add3A_22 = vector.broadcast %add3A_21 : i32 to vector<16xi32>
    %add3A_23 = arith.addi %mul3A_7, %add3A_22 : vector<16xi32>
    %add3A_24 = arith.constant 16000 : i32
    %add3A_25 = vector.broadcast %add3A_24 : i32 to vector<16xi32>
    %add3A_26 = arith.addi %mul3A_7, %add3A_25 : vector<16xi32>
    %add3A_27 = arith.constant 19200 : i32
    %add3A_28 = vector.broadcast %add3A_27 : i32 to vector<16xi32>
    %add3A_29 = arith.addi %mul3A_7, %add3A_28 : vector<16xi32>
    %add3A_30 = arith.constant 22400 : i32
    %add3A_31 = vector.broadcast %add3A_30 : i32 to vector<16xi32>
    %add3A_32 = arith.addi %mul3A_7, %add3A_31 : vector<16xi32>
    %scan3A = arith.constant -65536 : i32
    %scan3A_33 = arith.constant 0 : i32
    %scan3A_34 = arith.constant 200 : i32
    %scan3A_35 = arith.addi %scan3A_33, %scan3A_34 : i32
    %scan3A_36 = arith.constant 1 : i32
    %scan3A_37:8 = scf.for %scan3A_56 = %scan3A_33 to %scan3A_35 step %scan3A_36 iter_args(%scan3A_57 = %broadcast_in_dim3A_8, %scan3A_58 = %broadcast_in_dim3A_8, %scan3A_59 = %broadcast_in_dim3A_8, %scan3A_60 = %broadcast_in_dim3A_8, %scan3A_61 = %broadcast_in_dim3A_8, %scan3A_62 = %broadcast_in_dim3A_8, %scan3A_63 = %broadcast_in_dim3A_8, %scan3A_64 = %broadcast_in_dim3A_8) -> (vector<16xf32>, vector<16xf32>, vector<16xf32>, vector<16xf32>, vector<16xf32>, vector<16xf32>, vector<16xf32>, vector<16xf32>)  : i32 {
      %add3A_65 = vector.broadcast %scan3A_56 : i32 to vector<16xi32>
      %add3A_66 = arith.addi %add3A_11, %add3A_65 : vector<16xi32>
      %gather3A = tpu.vector_load_idx %arg6[%add3A_66] : memref<25600xi32, #tpu.memory_space<vmem>>[vector<16xi32>], vector<16xi32>,
      %ge3A = arith.constant 51200 : i32
      %ge3A_67 = vector.broadcast %ge3A : i32 to vector<16xi32>
      %ge3A_68 = arith.cmpi sge, %gather3A, %ge3A_67 : vector<16xi32>
      %jit3A = arith.constant 51200 : i32
      %jit3A_69 = arith.constant 0 : i32
      %broadcast_in_dim3A_70 = vector.broadcast %jit3A : i32 to vector<16xi32>
      %broadcast_in_dim3A_71 = vector.broadcast %jit3A_69 : i32 to vector<16xi32>
      %select_n3A = arith.select %ge3A_68, %broadcast_in_dim3A_70, %broadcast_in_dim3A_71 : vector<16xi1>, vector<16xi32>
      %sub3A = arith.subi %gather3A, %select_n3A : vector<16xi32>
      %gather3A_72 = tpu.vector_load_idx %arg5[%sub3A] : memref<51200xi32, #tpu.memory_space<vmem>>[vector<16xi32>], vector<16xi32>,
      %and3A = vector.broadcast %scan3A : i32 to vector<16xi32>
      %and3A_73 = arith.andi %gather3A_72, %and3A : vector<16xi32>
      %shift_left3A = arith.constant 16 : i32
      %shift_left3A_74 = vector.broadcast %shift_left3A : i32 to vector<16xi32>
      %shift_left3A_75 = arith.shli %gather3A_72, %shift_left3A_74 : vector<16xi32>
      %select_n3A_76 = arith.select %ge3A_68, %and3A_73, %shift_left3A_75 : vector<16xi1>, vector<16xi32>
      %bitcast3A = vector.bitcast %select_n3A_76 : vector<16xi32> to vector<16xf32>
      %add3A_77 = arith.addf %scan3A_57, %bitcast3A : vector<16xf32>
      %add3A_78 = vector.broadcast %scan3A_56 : i32 to vector<16xi32>
      %add3A_79 = arith.addi %add3A_14, %add3A_78 : vector<16xi32>
      %gather3A_80 = tpu.vector_load_idx %arg6[%add3A_79] : memref<25600xi32, #tpu.memory_space<vmem>>[vector<16xi32>], vector<16xi32>,
      %ge3A_81 = arith.constant 51200 : i32
      %ge3A_82 = vector.broadcast %ge3A_81 : i32 to vector<16xi32>
      %ge3A_83 = arith.cmpi sge, %gather3A_80, %ge3A_82 : vector<16xi32>
      %jit3A_84 = arith.constant 51200 : i32
      %jit3A_85 = arith.constant 0 : i32
      %broadcast_in_dim3A_86 = vector.broadcast %jit3A_84 : i32 to vector<16xi32>
      %broadcast_in_dim3A_87 = vector.broadcast %jit3A_85 : i32 to vector<16xi32>
      %select_n3A_88 = arith.select %ge3A_83, %broadcast_in_dim3A_86, %broadcast_in_dim3A_87 : vector<16xi1>, vector<16xi32>
      %sub3A_89 = arith.subi %gather3A_80, %select_n3A_88 : vector<16xi32>
      %gather3A_90 = tpu.vector_load_idx %arg5[%sub3A_89] : memref<51200xi32, #tpu.memory_space<vmem>>[vector<16xi32>], vector<16xi32>,
      %and3A_91 = vector.broadcast %scan3A : i32 to vector<16xi32>
      %and3A_92 = arith.andi %gather3A_90, %and3A_91 : vector<16xi32>
      %shift_left3A_93 = arith.constant 16 : i32
      %shift_left3A_94 = vector.broadcast %shift_left3A_93 : i32 to vector<16xi32>
      %shift_left3A_95 = arith.shli %gather3A_90, %shift_left3A_94 : vector<16xi32>
      %select_n3A_96 = arith.select %ge3A_83, %and3A_92, %shift_left3A_95 : vector<16xi1>, vector<16xi32>
      %bitcast3A_97 = vector.bitcast %select_n3A_96 : vector<16xi32> to vector<16xf32>
      %add3A_98 = arith.addf %scan3A_58, %bitcast3A_97 : vector<16xf32>
      %add3A_99 = vector.broadcast %scan3A_56 : i32 to vector<16xi32>
      %add3A_100 = arith.addi %add3A_17, %add3A_99 : vector<16xi32>
      %gather3A_101 = tpu.vector_load_idx %arg6[%add3A_100] : memref<25600xi32, #tpu.memory_space<vmem>>[vector<16xi32>], vector<16xi32>,
      %ge3A_102 = arith.constant 51200 : i32
      %ge3A_103 = vector.broadcast %ge3A_102 : i32 to vector<16xi32>
      %ge3A_104 = arith.cmpi sge, %gather3A_101, %ge3A_103 : vector<16xi32>
      %jit3A_105 = arith.constant 51200 : i32
      %jit3A_106 = arith.constant 0 : i32
      %broadcast_in_dim3A_107 = vector.broadcast %jit3A_105 : i32 to vector<16xi32>
      %broadcast_in_dim3A_108 = vector.broadcast %jit3A_106 : i32 to vector<16xi32>
      %select_n3A_109 = arith.select %ge3A_104, %broadcast_in_dim3A_107, %broadcast_in_dim3A_108 : vector<16xi1>, vector<16xi32>
      %sub3A_110 = arith.subi %gather3A_101, %select_n3A_109 : vector<16xi32>
      %gather3A_111 = tpu.vector_load_idx %arg5[%sub3A_110] : memref<51200xi32, #tpu.memory_space<vmem>>[vector<16xi32>], vector<16xi32>,
      %and3A_112 = vector.broadcast %scan3A : i32 to vector<16xi32>
      %and3A_113 = arith.andi %gather3A_111, %and3A_112 : vector<16xi32>
      %shift_left3A_114 = arith.constant 16 : i32
      %shift_left3A_115 = vector.broadcast %shift_left3A_114 : i32 to vector<16xi32>
      %shift_left3A_116 = arith.shli %gather3A_111, %shift_left3A_115 : vector<16xi32>
      %select_n3A_117 = arith.select %ge3A_104, %and3A_113, %shift_left3A_116 : vector<16xi1>, vector<16xi32>
      %bitcast3A_118 = vector.bitcast %select_n3A_117 : vector<16xi32> to vector<16xf32>
      %add3A_119 = arith.addf %scan3A_59, %bitcast3A_118 : vector<16xf32>
      %add3A_120 = vector.broadcast %scan3A_56 : i32 to vector<16xi32>
      %add3A_121 = arith.addi %add3A_20, %add3A_120 : vector<16xi32>
      %gather3A_122 = tpu.vector_load_idx %arg6[%add3A_121] : memref<25600xi32, #tpu.memory_space<vmem>>[vector<16xi32>], vector<16xi32>,
      %ge3A_123 = arith.constant 51200 : i32
      %ge3A_124 = vector.broadcast %ge3A_123 : i32 to vector<16xi32>
      %ge3A_125 = arith.cmpi sge, %gather3A_122, %ge3A_124 : vector<16xi32>
      %jit3A_126 = arith.constant 51200 : i32
      %jit3A_127 = arith.constant 0 : i32
      %broadcast_in_dim3A_128 = vector.broadcast %jit3A_126 : i32 to vector<16xi32>
      %broadcast_in_dim3A_129 = vector.broadcast %jit3A_127 : i32 to vector<16xi32>
      %select_n3A_130 = arith.select %ge3A_125, %broadcast_in_dim3A_128, %broadcast_in_dim3A_129 : vector<16xi1>, vector<16xi32>
      %sub3A_131 = arith.subi %gather3A_122, %select_n3A_130 : vector<16xi32>
      %gather3A_132 = tpu.vector_load_idx %arg5[%sub3A_131] : memref<51200xi32, #tpu.memory_space<vmem>>[vector<16xi32>], vector<16xi32>,
      %and3A_133 = vector.broadcast %scan3A : i32 to vector<16xi32>
      %and3A_134 = arith.andi %gather3A_132, %and3A_133 : vector<16xi32>
      %shift_left3A_135 = arith.constant 16 : i32
      %shift_left3A_136 = vector.broadcast %shift_left3A_135 : i32 to vector<16xi32>
      %shift_left3A_137 = arith.shli %gather3A_132, %shift_left3A_136 : vector<16xi32>
      %select_n3A_138 = arith.select %ge3A_125, %and3A_134, %shift_left3A_137 : vector<16xi1>, vector<16xi32>
      %bitcast3A_139 = vector.bitcast %select_n3A_138 : vector<16xi32> to vector<16xf32>
      %add3A_140 = arith.addf %scan3A_60, %bitcast3A_139 : vector<16xf32>
      %add3A_141 = vector.broadcast %scan3A_56 : i32 to vector<16xi32>
      %add3A_142 = arith.addi %add3A_23, %add3A_141 : vector<16xi32>
      %gather3A_143 = tpu.vector_load_idx %arg6[%add3A_142] : memref<25600xi32, #tpu.memory_space<vmem>>[vector<16xi32>], vector<16xi32>,
      %ge3A_144 = arith.constant 51200 : i32
      %ge3A_145 = vector.broadcast %ge3A_144 : i32 to vector<16xi32>
      %ge3A_146 = arith.cmpi sge, %gather3A_143, %ge3A_145 : vector<16xi32>
      %jit3A_147 = arith.constant 51200 : i32
      %jit3A_148 = arith.constant 0 : i32
      %broadcast_in_dim3A_149 = vector.broadcast %jit3A_147 : i32 to vector<16xi32>
      %broadcast_in_dim3A_150 = vector.broadcast %jit3A_148 : i32 to vector<16xi32>
      %select_n3A_151 = arith.select %ge3A_146, %broadcast_in_dim3A_149, %broadcast_in_dim3A_150 : vector<16xi1>, vector<16xi32>
      %sub3A_152 = arith.subi %gather3A_143, %select_n3A_151 : vector<16xi32>
      %gather3A_153 = tpu.vector_load_idx %arg5[%sub3A_152] : memref<51200xi32, #tpu.memory_space<vmem>>[vector<16xi32>], vector<16xi32>,
      %and3A_154 = vector.broadcast %scan3A : i32 to vector<16xi32>
      %and3A_155 = arith.andi %gather3A_153, %and3A_154 : vector<16xi32>
      %shift_left3A_156 = arith.constant 16 : i32
      %shift_left3A_157 = vector.broadcast %shift_left3A_156 : i32 to vector<16xi32>
      %shift_left3A_158 = arith.shli %gather3A_153, %shift_left3A_157 : vector<16xi32>
      %select_n3A_159 = arith.select %ge3A_146, %and3A_155, %shift_left3A_158 : vector<16xi1>, vector<16xi32>
      %bitcast3A_160 = vector.bitcast %select_n3A_159 : vector<16xi32> to vector<16xf32>
      %add3A_161 = arith.addf %scan3A_61, %bitcast3A_160 : vector<16xf32>
      %add3A_162 = vector.broadcast %scan3A_56 : i32 to vector<16xi32>
      %add3A_163 = arith.addi %add3A_26, %add3A_162 : vector<16xi32>
      %gather3A_164 = tpu.vector_load_idx %arg6[%add3A_163] : memref<25600xi32, #tpu.memory_space<vmem>>[vector<16xi32>], vector<16xi32>,
      %ge3A_165 = arith.constant 51200 : i32
      %ge3A_166 = vector.broadcast %ge3A_165 : i32 to vector<16xi32>
      %ge3A_167 = arith.cmpi sge, %gather3A_164, %ge3A_166 : vector<16xi32>
      %jit3A_168 = arith.constant 51200 : i32
      %jit3A_169 = arith.constant 0 : i32
      %broadcast_in_dim3A_170 = vector.broadcast %jit3A_168 : i32 to vector<16xi32>
      %broadcast_in_dim3A_171 = vector.broadcast %jit3A_169 : i32 to vector<16xi32>
      %select_n3A_172 = arith.select %ge3A_167, %broadcast_in_dim3A_170, %broadcast_in_dim3A_171 : vector<16xi1>, vector<16xi32>
      %sub3A_173 = arith.subi %gather3A_164, %select_n3A_172 : vector<16xi32>
      %gather3A_174 = tpu.vector_load_idx %arg5[%sub3A_173] : memref<51200xi32, #tpu.memory_space<vmem>>[vector<16xi32>], vector<16xi32>,
      %and3A_175 = vector.broadcast %scan3A : i32 to vector<16xi32>
      %and3A_176 = arith.andi %gather3A_174, %and3A_175 : vector<16xi32>
      %shift_left3A_177 = arith.constant 16 : i32
      %shift_left3A_178 = vector.broadcast %shift_left3A_177 : i32 to vector<16xi32>
      %shift_left3A_179 = arith.shli %gather3A_174, %shift_left3A_178 : vector<16xi32>
      %select_n3A_180 = arith.select %ge3A_167, %and3A_176, %shift_left3A_179 : vector<16xi1>, vector<16xi32>
      %bitcast3A_181 = vector.bitcast %select_n3A_180 : vector<16xi32> to vector<16xf32>
      %add3A_182 = arith.addf %scan3A_62, %bitcast3A_181 : vector<16xf32>
      %add3A_183 = vector.broadcast %scan3A_56 : i32 to vector<16xi32>
      %add3A_184 = arith.addi %add3A_29, %add3A_183 : vector<16xi32>
      %gather3A_185 = tpu.vector_load_idx %arg6[%add3A_184] : memref<25600xi32, #tpu.memory_space<vmem>>[vector<16xi32>], vector<16xi32>,
      %ge3A_186 = arith.constant 51200 : i32
      %ge3A_187 = vector.broadcast %ge3A_186 : i32 to vector<16xi32>
      %ge3A_188 = arith.cmpi sge, %gather3A_185, %ge3A_187 : vector<16xi32>
      %jit3A_189 = arith.constant 51200 : i32
      %jit3A_190 = arith.constant 0 : i32
      %broadcast_in_dim3A_191 = vector.broadcast %jit3A_189 : i32 to vector<16xi32>
      %broadcast_in_dim3A_192 = vector.broadcast %jit3A_190 : i32 to vector<16xi32>
      %select_n3A_193 = arith.select %ge3A_188, %broadcast_in_dim3A_191, %broadcast_in_dim3A_192 : vector<16xi1>, vector<16xi32>
      %sub3A_194 = arith.subi %gather3A_185, %select_n3A_193 : vector<16xi32>
      %gather3A_195 = tpu.vector_load_idx %arg5[%sub3A_194] : memref<51200xi32, #tpu.memory_space<vmem>>[vector<16xi32>], vector<16xi32>,
      %and3A_196 = vector.broadcast %scan3A : i32 to vector<16xi32>
      %and3A_197 = arith.andi %gather3A_195, %and3A_196 : vector<16xi32>
      %shift_left3A_198 = arith.constant 16 : i32
      %shift_left3A_199 = vector.broadcast %shift_left3A_198 : i32 to vector<16xi32>
      %shift_left3A_200 = arith.shli %gather3A_195, %shift_left3A_199 : vector<16xi32>
      %select_n3A_201 = arith.select %ge3A_188, %and3A_197, %shift_left3A_200 : vector<16xi1>, vector<16xi32>
      %bitcast3A_202 = vector.bitcast %select_n3A_201 : vector<16xi32> to vector<16xf32>
      %add3A_203 = arith.addf %scan3A_63, %bitcast3A_202 : vector<16xf32>
      %add3A_204 = vector.broadcast %scan3A_56 : i32 to vector<16xi32>
      %add3A_205 = arith.addi %add3A_32, %add3A_204 : vector<16xi32>
      %gather3A_206 = tpu.vector_load_idx %arg6[%add3A_205] : memref<25600xi32, #tpu.memory_space<vmem>>[vector<16xi32>], vector<16xi32>,
      %ge3A_207 = arith.constant 51200 : i32
      %ge3A_208 = vector.broadcast %ge3A_207 : i32 to vector<16xi32>
      %ge3A_209 = arith.cmpi sge, %gather3A_206, %ge3A_208 : vector<16xi32>
      %jit3A_210 = arith.constant 51200 : i32
      %jit3A_211 = arith.constant 0 : i32
      %broadcast_in_dim3A_212 = vector.broadcast %jit3A_210 : i32 to vector<16xi32>
      %broadcast_in_dim3A_213 = vector.broadcast %jit3A_211 : i32 to vector<16xi32>
      %select_n3A_214 = arith.select %ge3A_209, %broadcast_in_dim3A_212, %broadcast_in_dim3A_213 : vector<16xi1>, vector<16xi32>
      %sub3A_215 = arith.subi %gather3A_206, %select_n3A_214 : vector<16xi32>
      %gather3A_216 = tpu.vector_load_idx %arg5[%sub3A_215] : memref<51200xi32, #tpu.memory_space<vmem>>[vector<16xi32>], vector<16xi32>,
      %and3A_217 = vector.broadcast %scan3A : i32 to vector<16xi32>
      %and3A_218 = arith.andi %gather3A_216, %and3A_217 : vector<16xi32>
      %shift_left3A_219 = arith.constant 16 : i32
      %shift_left3A_220 = vector.broadcast %shift_left3A_219 : i32 to vector<16xi32>
      %shift_left3A_221 = arith.shli %gather3A_216, %shift_left3A_220 : vector<16xi32>
      %select_n3A_222 = arith.select %ge3A_209, %and3A_218, %shift_left3A_221 : vector<16xi1>, vector<16xi32>
      %bitcast3A_223 = vector.bitcast %select_n3A_222 : vector<16xi32> to vector<16xf32>
      %add3A_224 = arith.addf %scan3A_64, %bitcast3A_223 : vector<16xf32>
      scf.yield %add3A_77, %add3A_98, %add3A_119, %add3A_140, %add3A_161, %add3A_182, %add3A_203, %add3A_224 : vector<16xf32>, vector<16xf32>, vector<16xf32>, vector<16xf32>, vector<16xf32>, vector<16xf32>, vector<16xf32>, vector<16xf32>
    }
    %scan3A_38 = arith.constant 200 : i32
    %swap3A = arith.constant 0 : index
    %swap3A_39 = tpu.vector_load %arg7[%swap3A] {strides = array<i32>} : memref<128xf32, #tpu.memory_space<vmem>>, vector<16xf32>,
    tpu.vector_store %arg7[%swap3A], %scan3A_37#0 {strides = array<i32>} : memref<128xf32, #tpu.memory_space<vmem>>, vector<16xf32>,
    %swap3A_40 = arith.constant 16 : index
    %swap3A_41 = tpu.vector_load %arg7[%swap3A_40] {strides = array<i32>} : memref<128xf32, #tpu.memory_space<vmem>>, vector<16xf32>,
    tpu.vector_store %arg7[%swap3A_40], %scan3A_37#1 {strides = array<i32>} : memref<128xf32, #tpu.memory_space<vmem>>, vector<16xf32>,
    %swap3A_42 = arith.constant 32 : index
    %swap3A_43 = tpu.vector_load %arg7[%swap3A_42] {strides = array<i32>} : memref<128xf32, #tpu.memory_space<vmem>>, vector<16xf32>,
    tpu.vector_store %arg7[%swap3A_42], %scan3A_37#2 {strides = array<i32>} : memref<128xf32, #tpu.memory_space<vmem>>, vector<16xf32>,
    %swap3A_44 = arith.constant 48 : index
    %swap3A_45 = tpu.vector_load %arg7[%swap3A_44] {strides = array<i32>} : memref<128xf32, #tpu.memory_space<vmem>>, vector<16xf32>,
    tpu.vector_store %arg7[%swap3A_44], %scan3A_37#3 {strides = array<i32>} : memref<128xf32, #tpu.memory_space<vmem>>, vector<16xf32>,
    %swap3A_46 = arith.constant 64 : index
    %swap3A_47 = tpu.vector_load %arg7[%swap3A_46] {strides = array<i32>} : memref<128xf32, #tpu.memory_space<vmem>>, vector<16xf32>,
    tpu.vector_store %arg7[%swap3A_46], %scan3A_37#4 {strides = array<i32>} : memref<128xf32, #tpu.memory_space<vmem>>, vector<16xf32>,
    %swap3A_48 = arith.constant 80 : index
    %swap3A_49 = tpu.vector_load %arg7[%swap3A_48] {strides = array<i32>} : memref<128xf32, #tpu.memory_space<vmem>>, vector<16xf32>,
    tpu.vector_store %arg7[%swap3A_48], %scan3A_37#5 {strides = array<i32>} : memref<128xf32, #tpu.memory_space<vmem>>, vector<16xf32>,
    %swap3A_50 = arith.constant 96 : index
    %swap3A_51 = tpu.vector_load %arg7[%swap3A_50] {strides = array<i32>} : memref<128xf32, #tpu.memory_space<vmem>>, vector<16xf32>,
    tpu.vector_store %arg7[%swap3A_50], %scan3A_37#6 {strides = array<i32>} : memref<128xf32, #tpu.memory_space<vmem>>, vector<16xf32>,
    %swap3A_52 = arith.constant 112 : index
    %swap3A_53 = tpu.vector_load %arg7[%swap3A_52] {strides = array<i32>} : memref<128xf32, #tpu.memory_space<vmem>>, vector<16xf32>,
    tpu.vector_store %arg7[%swap3A_52], %scan3A_37#7 {strides = array<i32>} : memref<128xf32, #tpu.memory_space<vmem>>, vector<16xf32>,
    %mul3A_54 = arith.constant 128 : i32
    %mul3A_55 = arith.muli %add3A, %mul3A_54 : i32
    "tpu.region"() ({
      %run_scoped3A = tpu.sem_alloc : memref<!tpu.dma_semaphore, #tpu.memory_space<semaphore_mem>>
      %dma_start3A_56 = tpu.memref_slice %arg4[%mul3A_55] : memref<4096xf32, #tpu.memory_space<hbm>> -> memref<128xf32, #tpu.memory_space<hbm>>
      %dma_start3A_57 = tpu.memref_slice %arg4[%mul3A_55] : memref<4096xf32, #tpu.memory_space<hbm>> -> memref<128xf32, #tpu.memory_space<hbm>>
      tpu.enqueue_dma source(%arg7 : memref<128xf32, #tpu.memory_space<vmem>>) target(%dma_start3A_57 : memref<128xf32, #tpu.memory_space<hbm>>) target_semaphore(%run_scoped3A : memref<!tpu.dma_semaphore, #tpu.memory_space<semaphore_mem>>)
      %dma_wait3A_58 = tpu.memref_slice %arg4[%mul3A_55] : memref<4096xf32, #tpu.memory_space<hbm>> -> memref<128xf32, #tpu.memory_space<hbm>>
      %dma_wait3A_59 = tpu.memref_slice %arg4[%mul3A_55] : memref<4096xf32, #tpu.memory_space<hbm>> -> memref<128xf32, #tpu.memory_space<hbm>>
      tpu.wait_dma2 semaphore(%run_scoped3A : memref<!tpu.dma_semaphore, #tpu.memory_space<semaphore_mem>>) src(%arg7 : memref<128xf32, #tpu.memory_space<vmem>>) dst(%dma_wait3A_59 : memref<128xf32, #tpu.memory_space<hbm>>)
      tpu.yield
    }) : () -> ()
    return
  }
}

#map = affine_map<(d0, d1) -> (0, 0)>
#map1 = affine_map<(d0, d1) -> (0)>
module attributes {stable_mosaic.version = 14 : i64} {
  func.func @_flatten_kernel(%arg0: i32, %arg1: i32, %arg2: memref<4096x200xi32, #tpu.memory_space<hbm>>, %arg3: memref<819200xi32, #tpu.memory_space<hbm>>, %arg4: memref<128x200xi32, #tpu.memory_space<vmem>>, %arg5: memref<25600xi32, #tpu.memory_space<vmem>>) attributes {dimension_semantics = [#tpu.dimension_semantics<core_parallel>, #tpu.dimension_semantics<subcore_parallel>], iteration_bounds = array<i64: 2, 16>, scalar_prefetch = 0 : i64, scratch_operands = 2 : i64, tpu.core_type = #tpu.core_type<sc_vector_subcore>, window_params = [{transform_indices = #map}, {transform_indices = #map1}]} {
    %mul3A = arith.constant 2 : i32
    %mul3A_0 = arith.muli %arg1, %mul3A : i32
    %add3A = arith.addi %mul3A_0, %arg0 : i32
    %mul3A_1 = arith.constant 128 : i32
    %mul3A_2 = arith.muli %add3A, %mul3A_1 : i32
    "tpu.region"() ({
      %run_scoped3A = tpu.sem_alloc : memref<!tpu.dma_semaphore, #tpu.memory_space<semaphore_mem>>
      %dma_start3A = arith.constant 0 : i32
      %dma_start3A_10 = tpu.memref_slice %arg2[%mul3A_2, %dma_start3A] : memref<4096x200xi32, #tpu.memory_space<hbm>> -> memref<128x200xi32, #tpu.memory_space<hbm>>
      %dma_start3A_11 = arith.constant 0 : i32
      %dma_start3A_12 = tpu.memref_slice %arg2[%mul3A_2, %dma_start3A_11] : memref<4096x200xi32, #tpu.memory_space<hbm>> -> memref<128x200xi32, #tpu.memory_space<hbm>>
      tpu.enqueue_dma source(%dma_start3A_12 : memref<128x200xi32, #tpu.memory_space<hbm>>) target(%arg4 : memref<128x200xi32, #tpu.memory_space<vmem>>) target_semaphore(%run_scoped3A : memref<!tpu.dma_semaphore, #tpu.memory_space<semaphore_mem>>)
      %dma_wait3A = arith.constant 0 : i32
      %dma_wait3A_13 = tpu.memref_slice %arg2[%mul3A_2, %dma_wait3A] : memref<4096x200xi32, #tpu.memory_space<hbm>> -> memref<128x200xi32, #tpu.memory_space<hbm>>
      %dma_wait3A_14 = arith.constant 0 : i32
      %dma_wait3A_15 = tpu.memref_slice %arg2[%mul3A_2, %dma_wait3A_14] : memref<4096x200xi32, #tpu.memory_space<hbm>> -> memref<128x200xi32, #tpu.memory_space<hbm>>
      tpu.wait_dma2 semaphore(%run_scoped3A : memref<!tpu.dma_semaphore, #tpu.memory_space<semaphore_mem>>) src(%dma_wait3A_15 : memref<128x200xi32, #tpu.memory_space<hbm>>) dst(%arg4 : memref<128x200xi32, #tpu.memory_space<vmem>>)
      tpu.yield
    }) : () -> ()
    %scan3A = arith.constant 0 : i32
    %scan3A_3 = arith.constant 0 : i32
    %scan3A_4 = arith.constant 128 : i32
    %scan3A_5 = arith.addi %scan3A_3, %scan3A_4 : i32
    %scan3A_6 = arith.constant 1 : i32
    scf.for %scan3A_10 = %scan3A_3 to %scan3A_5 step %scan3A_6  : i32 {
      %mul3A_11 = arith.constant 200 : i32
      %mul3A_12 = arith.muli %scan3A_10, %mul3A_11 : i32
      %get3A = arith.index_cast %scan3A_10 : i32 to index
      %get3A_13 = arith.constant 0 : index
      %get3A_14 = tpu.vector_load %arg4[%get3A, %get3A_13] {strides = array<i32>} : memref<128x200xi32, #tpu.memory_space<vmem>>, vector<16xi32>,
      %add3A_15 = arith.constant 0 : i32
      %add3A_16 = arith.addi %mul3A_12, %add3A_15 : i32
      %swap3A = arith.index_cast %add3A_16 : i32 to index
      %swap3A_17 = tpu.vector_load %arg5[%swap3A] {strides = array<i32>} : memref<25600xi32, #tpu.memory_space<vmem>>, vector<16xi32>,
      tpu.vector_store %arg5[%swap3A], %get3A_14 {strides = array<i32>} : memref<25600xi32, #tpu.memory_space<vmem>>, vector<16xi32>,
      %get3A_18 = arith.index_cast %scan3A_10 : i32 to index
      %get3A_19 = arith.constant 16 : index
      %get3A_20 = tpu.vector_load %arg4[%get3A_18, %get3A_19] {strides = array<i32>} : memref<128x200xi32, #tpu.memory_space<vmem>>, vector<16xi32>,
      %add3A_21 = arith.constant 16 : i32
      %add3A_22 = arith.addi %mul3A_12, %add3A_21 : i32
      %swap3A_23 = arith.index_cast %add3A_22 : i32 to index
      %swap3A_24 = tpu.vector_load %arg5[%swap3A_23] {strides = array<i32>} : memref<25600xi32, #tpu.memory_space<vmem>>, vector<16xi32>,
      tpu.vector_store %arg5[%swap3A_23], %get3A_20 {strides = array<i32>} : memref<25600xi32, #tpu.memory_space<vmem>>, vector<16xi32>,
      %get3A_25 = arith.index_cast %scan3A_10 : i32 to index
      %get3A_26 = arith.constant 32 : index
      %get3A_27 = tpu.vector_load %arg4[%get3A_25, %get3A_26] {strides = array<i32>} : memref<128x200xi32, #tpu.memory_space<vmem>>, vector<16xi32>,
      %add3A_28 = arith.constant 32 : i32
      %add3A_29 = arith.addi %mul3A_12, %add3A_28 : i32
      %swap3A_30 = arith.index_cast %add3A_29 : i32 to index
      %swap3A_31 = tpu.vector_load %arg5[%swap3A_30] {strides = array<i32>} : memref<25600xi32, #tpu.memory_space<vmem>>, vector<16xi32>,
      tpu.vector_store %arg5[%swap3A_30], %get3A_27 {strides = array<i32>} : memref<25600xi32, #tpu.memory_space<vmem>>, vector<16xi32>,
      %get3A_32 = arith.index_cast %scan3A_10 : i32 to index
      %get3A_33 = arith.constant 48 : index
      %get3A_34 = tpu.vector_load %arg4[%get3A_32, %get3A_33] {strides = array<i32>} : memref<128x200xi32, #tpu.memory_space<vmem>>, vector<16xi32>,
      %add3A_35 = arith.constant 48 : i32
      %add3A_36 = arith.addi %mul3A_12, %add3A_35 : i32
      %swap3A_37 = arith.index_cast %add3A_36 : i32 to index
      %swap3A_38 = tpu.vector_load %arg5[%swap3A_37] {strides = array<i32>} : memref<25600xi32, #tpu.memory_space<vmem>>, vector<16xi32>,
      tpu.vector_store %arg5[%swap3A_37], %get3A_34 {strides = array<i32>} : memref<25600xi32, #tpu.memory_space<vmem>>, vector<16xi32>,
      %get3A_39 = arith.index_cast %scan3A_10 : i32 to index
      %get3A_40 = arith.constant 64 : index
      %get3A_41 = tpu.vector_load %arg4[%get3A_39, %get3A_40] {strides = array<i32>} : memref<128x200xi32, #tpu.memory_space<vmem>>, vector<16xi32>,
      %add3A_42 = arith.constant 64 : i32
      %add3A_43 = arith.addi %mul3A_12, %add3A_42 : i32
      %swap3A_44 = arith.index_cast %add3A_43 : i32 to index
      %swap3A_45 = tpu.vector_load %arg5[%swap3A_44] {strides = array<i32>} : memref<25600xi32, #tpu.memory_space<vmem>>, vector<16xi32>,
      tpu.vector_store %arg5[%swap3A_44], %get3A_41 {strides = array<i32>} : memref<25600xi32, #tpu.memory_space<vmem>>, vector<16xi32>,
      %get3A_46 = arith.index_cast %scan3A_10 : i32 to index
      %get3A_47 = arith.constant 80 : index
      %get3A_48 = tpu.vector_load %arg4[%get3A_46, %get3A_47] {strides = array<i32>} : memref<128x200xi32, #tpu.memory_space<vmem>>, vector<16xi32>,
      %add3A_49 = arith.constant 80 : i32
      %add3A_50 = arith.addi %mul3A_12, %add3A_49 : i32
      %swap3A_51 = arith.index_cast %add3A_50 : i32 to index
      %swap3A_52 = tpu.vector_load %arg5[%swap3A_51] {strides = array<i32>} : memref<25600xi32, #tpu.memory_space<vmem>>, vector<16xi32>,
      tpu.vector_store %arg5[%swap3A_51], %get3A_48 {strides = array<i32>} : memref<25600xi32, #tpu.memory_space<vmem>>, vector<16xi32>,
      %get3A_53 = arith.index_cast %scan3A_10 : i32 to index
      %get3A_54 = arith.constant 96 : index
      %get3A_55 = tpu.vector_load %arg4[%get3A_53, %get3A_54] {strides = array<i32>} : memref<128x200xi32, #tpu.memory_space<vmem>>, vector<16xi32>,
      %add3A_56 = arith.constant 96 : i32
      %add3A_57 = arith.addi %mul3A_12, %add3A_56 : i32
      %swap3A_58 = arith.index_cast %add3A_57 : i32 to index
      %swap3A_59 = tpu.vector_load %arg5[%swap3A_58] {strides = array<i32>} : memref<25600xi32, #tpu.memory_space<vmem>>, vector<16xi32>,
      tpu.vector_store %arg5[%swap3A_58], %get3A_55 {strides = array<i32>} : memref<25600xi32, #tpu.memory_space<vmem>>, vector<16xi32>,
      %get3A_60 = arith.index_cast %scan3A_10 : i32 to index
      %get3A_61 = arith.constant 112 : index
      %get3A_62 = tpu.vector_load %arg4[%get3A_60, %get3A_61] {strides = array<i32>} : memref<128x200xi32, #tpu.memory_space<vmem>>, vector<16xi32>,
      %add3A_63 = arith.constant 112 : i32
      %add3A_64 = arith.addi %mul3A_12, %add3A_63 : i32
      %swap3A_65 = arith.index_cast %add3A_64 : i32 to index
      %swap3A_66 = tpu.vector_load %arg5[%swap3A_65] {strides = array<i32>} : memref<25600xi32, #tpu.memory_space<vmem>>, vector<16xi32>,
      tpu.vector_store %arg5[%swap3A_65], %get3A_62 {strides = array<i32>} : memref<25600xi32, #tpu.memory_space<vmem>>, vector<16xi32>,
      %get3A_67 = arith.index_cast %scan3A_10 : i32 to index
      %get3A_68 = arith.constant 128 : index
      %get3A_69 = tpu.vector_load %arg4[%get3A_67, %get3A_68] {strides = array<i32>} : memref<128x200xi32, #tpu.memory_space<vmem>>, vector<16xi32>,
      %add3A_70 = arith.constant 128 : i32
      %add3A_71 = arith.addi %mul3A_12, %add3A_70 : i32
      %swap3A_72 = arith.index_cast %add3A_71 : i32 to index
      %swap3A_73 = tpu.vector_load %arg5[%swap3A_72] {strides = array<i32>} : memref<25600xi32, #tpu.memory_space<vmem>>, vector<16xi32>,
      tpu.vector_store %arg5[%swap3A_72], %get3A_69 {strides = array<i32>} : memref<25600xi32, #tpu.memory_space<vmem>>, vector<16xi32>,
      %get3A_74 = arith.index_cast %scan3A_10 : i32 to index
      %get3A_75 = arith.constant 144 : index
      %get3A_76 = tpu.vector_load %arg4[%get3A_74, %get3A_75] {strides = array<i32>} : memref<128x200xi32, #tpu.memory_space<vmem>>, vector<16xi32>,
      %add3A_77 = arith.constant 144 : i32
      %add3A_78 = arith.addi %mul3A_12, %add3A_77 : i32
      %swap3A_79 = arith.index_cast %add3A_78 : i32 to index
      %swap3A_80 = tpu.vector_load %arg5[%swap3A_79] {strides = array<i32>} : memref<25600xi32, #tpu.memory_space<vmem>>, vector<16xi32>,
      tpu.vector_store %arg5[%swap3A_79], %get3A_76 {strides = array<i32>} : memref<25600xi32, #tpu.memory_space<vmem>>, vector<16xi32>,
      %get3A_81 = arith.index_cast %scan3A_10 : i32 to index
      %get3A_82 = arith.constant 160 : index
      %get3A_83 = tpu.vector_load %arg4[%get3A_81, %get3A_82] {strides = array<i32>} : memref<128x200xi32, #tpu.memory_space<vmem>>, vector<16xi32>,
      %add3A_84 = arith.constant 160 : i32
      %add3A_85 = arith.addi %mul3A_12, %add3A_84 : i32
      %swap3A_86 = arith.index_cast %add3A_85 : i32 to index
      %swap3A_87 = tpu.vector_load %arg5[%swap3A_86] {strides = array<i32>} : memref<25600xi32, #tpu.memory_space<vmem>>, vector<16xi32>,
      tpu.vector_store %arg5[%swap3A_86], %get3A_83 {strides = array<i32>} : memref<25600xi32, #tpu.memory_space<vmem>>, vector<16xi32>,
      %get3A_88 = arith.index_cast %scan3A_10 : i32 to index
      %get3A_89 = arith.constant 176 : index
      %get3A_90 = tpu.vector_load %arg4[%get3A_88, %get3A_89] {strides = array<i32>} : memref<128x200xi32, #tpu.memory_space<vmem>>, vector<16xi32>,
      %add3A_91 = arith.constant 176 : i32
      %add3A_92 = arith.addi %mul3A_12, %add3A_91 : i32
      %swap3A_93 = arith.index_cast %add3A_92 : i32 to index
      %swap3A_94 = tpu.vector_load %arg5[%swap3A_93] {strides = array<i32>} : memref<25600xi32, #tpu.memory_space<vmem>>, vector<16xi32>,
      tpu.vector_store %arg5[%swap3A_93], %get3A_90 {strides = array<i32>} : memref<25600xi32, #tpu.memory_space<vmem>>, vector<16xi32>,
      %get3A_95 = arith.index_cast %scan3A_10 : i32 to index
      %get3A_96 = arith.constant 184 : index
      %get3A_97 = tpu.vector_load %arg4[%get3A_95, %get3A_96] {strides = array<i32>} : memref<128x200xi32, #tpu.memory_space<vmem>>, vector<16xi32>,
      %add3A_98 = arith.constant 184 : i32
      %add3A_99 = arith.addi %mul3A_12, %add3A_98 : i32
      %swap3A_100 = arith.index_cast %add3A_99 : i32 to index
      %swap3A_101 = tpu.vector_load %arg5[%swap3A_100] {strides = array<i32>} : memref<25600xi32, #tpu.memory_space<vmem>>, vector<16xi32>,
      tpu.vector_store %arg5[%swap3A_100], %get3A_97 {strides = array<i32>} : memref<25600xi32, #tpu.memory_space<vmem>>, vector<16xi32>,
    }
    %scan3A_7 = arith.constant 128 : i32
    %mul3A_8 = arith.constant 25600 : i32
    %mul3A_9 = arith.muli %add3A, %mul3A_8 : i32
    "tpu.region"() ({
      %run_scoped3A = tpu.sem_alloc : memref<!tpu.dma_semaphore, #tpu.memory_space<semaphore_mem>>
      %dma_start3A = tpu.memref_slice %arg3[%mul3A_9] : memref<819200xi32, #tpu.memory_space<hbm>> -> memref<25600xi32, #tpu.memory_space<hbm>>
      %dma_start3A_10 = tpu.memref_slice %arg3[%mul3A_9] : memref<819200xi32, #tpu.memory_space<hbm>> -> memref<25600xi32, #tpu.memory_space<hbm>>
      tpu.enqueue_dma source(%arg5 : memref<25600xi32, #tpu.memory_space<vmem>>) target(%dma_start3A_10 : memref<25600xi32, #tpu.memory_space<hbm>>) target_semaphore(%run_scoped3A : memref<!tpu.dma_semaphore, #tpu.memory_space<semaphore_mem>>)
      %dma_wait3A = tpu.memref_slice %arg3[%mul3A_9] : memref<819200xi32, #tpu.memory_space<hbm>> -> memref<25600xi32, #tpu.memory_space<hbm>>
      %dma_wait3A_11 = tpu.memref_slice %arg3[%mul3A_9] : memref<819200xi32, #tpu.memory_space<hbm>> -> memref<25600xi32, #tpu.memory_space<hbm>>
      tpu.wait_dma2 semaphore(%run_scoped3A : memref<!tpu.dma_semaphore, #tpu.memory_space<semaphore_mem>>) src(%arg5 : memref<25600xi32, #tpu.memory_space<vmem>>) dst(%dma_wait3A_11 : memref<25600xi32, #tpu.memory_space<hbm>>)
      tpu.yield
    }) : () -> ()
    return
  }
}

module attributes {stable_mosaic.version = 14 : i64} {
  func.func @_scores_body(%arg0: i32, %arg1: memref<128x1xf32, #tpu.memory_space<vmem>>, %arg2: memref<1xf32, #tpu.memory_space<vmem>>, %arg3: memref<5120x128xf32, #tpu.memory_space<vmem>>, %arg4: memref<5120x128xf32, #tpu.memory_space<vmem>>, %arg5: memref<5120xi32, #tpu.memory_space<vmem>>) attributes {dimension_semantics = [#tpu.dimension_semantics<arbitrary>], iteration_bounds = array<i64: 10>, scalar_prefetch = 0 : i64, scratch_operands = 0 : i64, tpu.core_type = #tpu.core_type<tc>, window_params = [{pipeline_mode = #tpu.pipeline_mode<synchronous>, transform_indices = @transform_0, window_bounds = array<i64: 128, 1>}, {pipeline_mode = #tpu.pipeline_mode<synchronous>, transform_indices = @transform_1, window_bounds = array<i64: 1>}, {transform_indices = @transform_2, window_bounds = array<i64: 5120, 128>}, {transform_indices = @transform_3, window_bounds = array<i64: 5120, 128>}, {transform_indices = @transform_4, window_bounds = array<i64: 5120>}]} {
    %get3A = arith.constant 0 : index
    %get3A_0 = arith.constant 0 : index
    %get3A_1 = vector.load %arg1[%get3A, %get3A_0] : memref<128x1xf32, #tpu.memory_space<vmem>>, vector<128x1xf32>
    %get3A_2 = arith.constant 0 : index
    %get3A_3 = arith.constant 0 : index
    %get3A_4 = vector.load %arg3[%get3A_2, %get3A_3] : memref<5120x128xf32, #tpu.memory_space<vmem>>, vector<5120x128xf32>
    %dot_general3A = arith.constant dense<0.000000e+00> : vector<1x5120xf32>
    %dot_general3A_5 = tpu.matmul %get3A_1, %get3A_4, %dot_general3A {dimension_numbers = #tpu.dot_dimension_numbers<[0], [1], [1], [0], [0, 1, 1, 0], [], []>, transpose_lhs_hint = false} : vector<128x1xf32>, vector<5120x128xf32>, vector<1x5120xf32> -> vector<1x5120xf32>
    %get3A_6 = arith.constant 0 : index
    %get3A_7 = vector.load %arg2[%get3A_6] : memref<1xf32, #tpu.memory_space<vmem>>, vector<1xf32>
    %get3A_8 = vector.extract %get3A_7[0] : f32 from vector<1xf32>
    %add3A = vector.broadcast %get3A_8 : f32 to vector<1x5120xf32>
    %add3A_9 = arith.addf %dot_general3A_5, %add3A : vector<1x5120xf32>
    %mul3A = arith.constant 5.000000e-03 : f32
    %mul3A_10 = vector.broadcast %mul3A : f32 to vector<1x5120xf32>
    %mul3A_11 = arith.mulf %add3A_9, %mul3A_10 : vector<1x5120xf32>
    %bitcast_convert_type3A = tpu.bitcast %mul3A_11 : vector<1x5120xf32> -> vector<1x5120xi32>
    %add3A_12 = arith.constant 32768 : i32
    %add3A_13 = vector.broadcast %add3A_12 : i32 to vector<1x5120xi32>
    %add3A_14 = arith.addi %bitcast_convert_type3A, %add3A_13 : vector<1x5120xi32>
    %shift_right_arithmetic3A = arith.constant 16 : i32
    %shift_right_arithmetic3A_15 = vector.broadcast %shift_right_arithmetic3A : i32 to vector<1x5120xi32>
    %shift_right_arithmetic3A_16 = arith.shrsi %add3A_14, %shift_right_arithmetic3A_15 : vector<1x5120xi32>
    %and3A = arith.constant 65535 : i32
    %and3A_17 = vector.broadcast %and3A : i32 to vector<1x5120xi32>
    %and3A_18 = arith.andi %shift_right_arithmetic3A_16, %and3A_17 : vector<1x5120xi32>
    %get3A_19 = arith.constant 0 : index
    %get3A_20 = arith.constant 0 : index
    %get3A_21 = vector.load %arg1[%get3A_19, %get3A_20] : memref<128x1xf32, #tpu.memory_space<vmem>>, vector<128x1xf32>
    %get3A_22 = arith.constant 0 : index
    %get3A_23 = arith.constant 0 : index
    %get3A_24 = vector.load %arg4[%get3A_22, %get3A_23] : memref<5120x128xf32, #tpu.memory_space<vmem>>, vector<5120x128xf32>
    %dot_general3A_25 = arith.constant dense<0.000000e+00> : vector<1x5120xf32>
    %dot_general3A_26 = tpu.matmul %get3A_21, %get3A_24, %dot_general3A_25 {dimension_numbers = #tpu.dot_dimension_numbers<[0], [1], [1], [0], [0, 1, 1, 0], [], []>, transpose_lhs_hint = false} : vector<128x1xf32>, vector<5120x128xf32>, vector<1x5120xf32> -> vector<1x5120xf32>
    %get3A_27 = arith.constant 0 : index
    %get3A_28 = vector.load %arg2[%get3A_27] : memref<1xf32, #tpu.memory_space<vmem>>, vector<1xf32>
    %get3A_29 = vector.extract %get3A_28[0] : f32 from vector<1xf32>
    %add3A_30 = vector.broadcast %get3A_29 : f32 to vector<1x5120xf32>
    %add3A_31 = arith.addf %dot_general3A_26, %add3A_30 : vector<1x5120xf32>
    %mul3A_32 = arith.constant 5.000000e-03 : f32
    %mul3A_33 = vector.broadcast %mul3A_32 : f32 to vector<1x5120xf32>
    %mul3A_34 = arith.mulf %add3A_31, %mul3A_33 : vector<1x5120xf32>
    %bitcast_convert_type3A_35 = tpu.bitcast %mul3A_34 : vector<1x5120xf32> -> vector<1x5120xi32>
    %add3A_36 = arith.constant 32768 : i32
    %add3A_37 = vector.broadcast %add3A_36 : i32 to vector<1x5120xi32>
    %add3A_38 = arith.addi %bitcast_convert_type3A_35, %add3A_37 : vector<1x5120xi32>
    %and3A_39 = arith.constant -65536 : i32
    %and3A_40 = vector.broadcast %and3A_39 : i32 to vector<1x5120xi32>
    %and3A_41 = arith.andi %add3A_38, %and3A_40 : vector<1x5120xi32>
    %or3A = arith.ori %and3A_41, %and3A_18 : vector<1x5120xi32>
    %reshape3A = vector.shape_cast %or3A : vector<1x5120xi32> to vector<5120xi32>
    %swap3A = arith.constant 0 : index
    %swap3A_42 = vector.load %arg5[%swap3A] : memref<5120xi32, #tpu.memory_space<vmem>>, vector<5120xi32>
    tpu.vector_store %arg5[%swap3A], %reshape3A {strides = array<i32>} : memref<5120xi32, #tpu.memory_space<vmem>>, vector<5120xi32>,
    return
  }
  func.func @transform_0(%arg0: i32) -> (i32, i32) {
    %c0_i32 = arith.constant 0 : i32
    %c0_i32_0 = arith.constant 0 : i32
    %c0_i32_1 = arith.constant 0 : i32
    return %c0_i32, %c0_i32_0 : i32, i32
  }
  func.func @transform_1(%arg0: i32) -> i32 {
    %c0_i32 = arith.constant 0 : i32
    %c0_i32_0 = arith.constant 0 : i32
    return %c0_i32 : i32
  }
  func.func @transform_2(%arg0: i32) -> (i32, i32) {
    %c0_i32 = arith.constant 0 : i32
    %c0_i32_0 = arith.constant 0 : i32
    return %arg0, %c0_i32 : i32, i32
  }
  func.func @transform_3(%arg0: i32) -> (i32, i32) {
    %add3A = arith.constant 10 : i32
    %add3A_0 = arith.addi %arg0, %add3A : i32
    %c0_i32 = arith.constant 0 : i32
    %c0_i32_1 = arith.constant 0 : i32
    return %add3A_0, %c0_i32 : i32, i32
  }
  func.func @transform_4(%arg0: i32) -> i32 {
    %c0_i32 = arith.constant 0 : i32
    return %arg0 : i32
  }
}

</mosaic_0001>

<sc_bundles>
// kernel: kernel.5.cloned.1.call-start
scs
__scs_entry_jumppad:
0x0: {  	(pc) =	sbr.rel $0x88, $3  }
0x1: {  	(tag) =	ssettag $0x0;
	lr =	simm.s32 $0x1  }
0x2: {  	[smem:$0x3F9D] =	sst lr;
	_ =	strace $0xD0000000  }
0x3: {  	_ = 	snop  }
0x4: {  	_ = 	snop  }
0x5: {  	_ = 	snop  }
0x6: {  	_ = 	snop  }
0x7: {  	_ = 	snop  }
__scs_overlays_trampoline_lowered:
0x8: {  	[smem:$0x3FAC] =	sst s0  }
0x9: {  	[smem:$0x3FAD] =	sst s1  }
0xa: {  	[smem:$0x3FAE] =	sst s2  }
0xb: {  	[smem:$0x3FAF] =	sst s3  }
0xc: {  	[smem:$0x3FB0] =	sst s4  }
0xd: {  	[smem:$0x3FB1] =	sst s5  }
0xe: {  	[smem:$0x3FB2] =	sst s6  }
0xf: {  	[smem:$0x3FB3] =	sst s7  }
0x10: {  	[smem:$0x3FB4] =	sst s8  }
0x11: {  	[smem:$0x3FB5] =	sst s9;
	s0 =	simm.s32 @!p0 $0x0  }
0x12: {  	s1 =	sld [smem:$0x3F9B];
	s0 =	simm.s32 @p0 $0x1  }
0x13: {  	[smem:$0x3FB6] =	sst s0;
	s0 =	simm.s32 @!p1 $0x0  }
0x14: {  	s2 =	sld [smem:$0x3F9A];
	s0 =	simm.s32 @p1 $0x1  }
0x15: {  	[smem:$0x3FB7] =	sst s0;
	s0 =	simm.s32 @!p2 $0x0  }
0x16: {  	s3 =	sld [smem:$0x3FDB];
	s0 =	simm.s32 @p2 $0x1  }
0x17: {  	s4 =	simm.s32 $0x1BF5;
	[smem:$0x3FB9] =	sst s0  }
0x18: {  	s0 =	sld [smem:$0x3F9C];
	_ =	swait.ge [sflag:s4], $0x0  }
0x19: {  	s7 =	sld [smem:$0x3F9D]  }
0x1a: {  	s8 =	sadd.s32 $0xFFFFE003, lr  }
0x1b: {  	s9 =	sadd.s32 $0xFFFFFEF7, lr;
	s5 =	simm.s32 $0xFFFFFFFF;
	p2 =	slt.u32 s8, $0xFFFFF086  }
0x1c: {  	p1 =	slt.u32 s9, $0xF7A;
	s5 =	simm.s32 @!p2 $0x0  }
0x1d: {  	s5 =	simm.s32 @p1 $0x1;
	p0 =	seq.s32 s7, s2  }
0x1e: {  	s7 =	smul.u32 @!p0 $0xF7A, s2;
	p2 =	seq.s32 @!p0 s5, $0x0  }
0x1f: {  	s9 =	smul.u32 $0xF7A, s1;
	s8 =	simm.s32 @!p0 $0x1BF5;
	p2 =	por !p2, p0  }
0x20: {  	[sflag:s8] =	ssyncset.s32 @!p0 $0xFFFFF086;
	s6 =	sadd.s32 @!p0 s3, s7;
	s7 =	simm.s32 @!p0 $0x108  }
0x21: {  	s3 =	sadd.s32 s3, s9;
	s6 =	sadd.s32 @!p0 $0x88, s6;
	s7 =	simm.s32 @p2 $0x1082  }
0x22: {  	[simem:s7], [sflag:s8] =	dma.local @!p0 [hbm:s6], $0xF7A  }
0x23: {  	s9 =	sor.u32 $0xD0000000, s2;
	s6 =	simm.s32 $0x108;
	_ =	swait.ge @!p0 [sflag:s8], $0x0  }
0x24: {  	s3 =	sadd.s32 $0x88, s3;
	s6 =	simm.s32 @!p1 $0x1082;
	[sflag:s4] =	ssyncset.s32 $0xFFFFF086  }
0x25: {  	[simem:s6], [sflag:s4] =	dma.local [hbm:s3], $0xF7A  }
0x26: {  	[smem:$0x3F9D] =	sst s1;
	(tag) =	ssettag s2;
	_ =	strace s9  }
0x27: {  	s1 =	sld [smem:$0x3FAD]  }
0x28: {  	s2 =	sld [smem:$0x3FAE]  }
0x29: {  	s4 =	sld [smem:$0x3FB0]  }
0x2a: {  	p0 =	seq.s32 s5, $0x0;
	s5 =	sld [smem:$0x3FB1]  }
0x2b: {  	s6 =	sld [smem:$0x3FB2]  }
0x2c: {  	s7 =	sld [smem:$0x3FB3]  }
0x2d: {  	s3 =	simm.s32 $0x108;
	s8 =	sld [smem:$0x3FB4]  }
0x2e: {  	s3 =	simm.s32 @!p0 $0x1082;
	s9 =	sld [smem:$0x3FB5]  }
0x2f: {  	lr =	sadd.s32 s0, s3;
	s0 =	sld [smem:$0x3FAC]  }
0x30: {  	s3 =	sld [smem:$0x3FAF]  }
0x31: {  	[smem:$0x3FB8] =	sst s10  }
0x32: {  	s10 =	sld [smem:$0x3FB6];
	_ =	sdelay $0x3  }
0x33: {  	p0 =	seq.s32 s10, $0x1;
	s10 =	sld [smem:$0x3FB8];
	_ =	sdelay $0x3  }
0x34: {  	[smem:$0x3FB8] =	sst s10  }
0x35: {  	s10 =	sld [smem:$0x3FB7];
	_ =	sdelay $0x3  }
0x36: {  	p1 =	seq.s32 s10, $0x1;
	s10 =	sld [smem:$0x3FB8];
	_ =	sdelay $0x3  }
0x37: {  	[smem:$0x3FB8] =	sst s10  }
0x38: {  	s10 =	sld [smem:$0x3FB9]  }
0x39: {  	_ = 	snop;
	(pc) =	sbr.ind lr, $3  }
0x3a: {  	_ = 	snop  }
0x3b: {  	_ = 	snop  }
0x3c: {  	p2 =	seq.s32 s10, $0x1;
	s10 =	sld [smem:$0x3FB8]  }
0x3d: {  	_ =	shalt  }
0x3e: {  	_ =	shalt  }
0x3f: {  	_ =	shalt  }
0x40: {  	_ =	shalt  }
0x41: {  	_ =	shalt  }
0x42: {  	_ =	shalt  }
0x43: {  	_ =	shalt  }
0x44: {  	_ =	shalt  }
0x45: {  	_ =	shalt  }
0x46: {  	_ =	shalt  }
0x47: {  	_ =	shalt  }
0x48: {  	_ =	shalt  }
0x49: {  	_ =	shalt  }
0x4a: {  	_ =	shalt  }
0x4b: {  	_ =	shalt  }
0x4c: {  	_ =	shalt  }
0x4d: {  	_ =	shalt  }
0x4e: {  	_ =	shalt  }
0x4f: {  	_ =	shalt  }
0x50: {  	_ =	shalt  }
0x51: {  	_ =	shalt  }
0x52: {  	_ =	shalt  }
0x53: {  	_ =	shalt  }
0x54: {  	_ =	shalt  }
0x55: {  	_ =	shalt  }
0x56: {  	_ =	shalt  }
0x57: {  	_ =	shalt  }
0x58: {  	_ =	shalt  }
0x59: {  	_ =	shalt  }
0x5a: {  	_ =	shalt  }
0x5b: {  	_ =	shalt  }
0x5c: {  	_ =	shalt  }
0x5d: {  	_ =	shalt  }
0x5e: {  	_ =	shalt  }
0x5f: {  	_ =	shalt  }
0x60: {  	_ =	shalt  }
0x61: {  	_ =	shalt  }
0x62: {  	_ =	shalt  }
0x63: {  	_ =	shalt  }
0x64: {  	_ =	shalt  }
0x65: {  	_ =	shalt  }
0x66: {  	_ =	shalt  }
0x67: {  	_ =	shalt  }
0x68: {  	_ =	shalt  }
0x69: {  	_ =	shalt  }
0x6a: {  	_ =	shalt  }
0x6b: {  	_ =	shalt  }
0x6c: {  	_ =	shalt  }
0x6d: {  	_ =	shalt  }
0x6e: {  	_ =	shalt  }
0x6f: {  	_ =	shalt  }
0x70: {  	_ =	shalt  }
0x71: {  	_ =	shalt  }
0x72: {  	_ =	shalt  }
0x73: {  	_ =	shalt  }
0x74: {  	_ =	shalt  }
0x75: {  	_ =	shalt  }
0x76: {  	_ =	shalt  }
0x77: {  	_ =	shalt  }
0x78: {  	_ =	shalt  }
0x79: {  	_ =	shalt  }
0x7a: {  	_ =	shalt  }
0x7b: {  	_ =	shalt  }
0x7c: {  	_ =	shalt  }
0x7d: {  	_ =	shalt  }
0x7e: {  	_ =	shalt  }
0x7f: {  	_ =	shalt  }
0x80: {  	_ =	shalt  }
0x81: {  	_ =	shalt  }
0x82: {  	_ =	shalt  }
0x83: {  	_ =	shalt  }
0x84: {  	_ =	shalt  }
0x85: {  	_ =	shalt  }
0x86: {  	_ =	shalt  }
0x87: {  	_ =	shalt  }
.Lfunc_end0:
.L_simem_size_0:
called_computation_lowered:
.L_overlay_start_0:
0x88: {  	s2 =	sld [smem:$0x3FD9]  }
0x89: {  	s3 =	sld [smem:$0x3FFE];
	_ =	sdelay $0x1  }
0x8a: {  	s1 =	srdreg.scid  }
0x8b: {  	s0 =	sand.u32 $0x1, s1  }
0x8c: {  	s16 =	sshll.u32 s0, $0xA;
	s2 =	sadd.s32 s3, s2  }
0x8d: {  	s2 =	sadd.s32 s2, s16  }
0x8e: {  	[smem:$0x3FC4] =	sst s2  }
0x8f: {  	_ = 	snop  }
0x90: {  	(tm) =	ssettm $0x1  }
0x91: {  	s17 =	sld [smem:$0x3FFB];
	_ =	sdelay $0x3  }
0x92: {  	_ =	strace s17  }
0x93: {  	s2 =	sld [smem:$0x3FFC];
	_ =	sdelay $0x3  }
0x94: {  	_ =	strace s2  }
0x95: {  	s2 =	sld [smem:$0x3FFD];
	_ =	sdelay $0x3  }
0x96: {  	_ =	strace s2  }
0x97: {  	_ =	strace $0x8FFFFFFF  }
0x98: {  	s18 =	sld [smem:$0x3FDB];
	_ =	sdelay $0x1  }
0x99: {  	s19 =	simm.s32 $_scs_section_size  }
0x9a: {  	s4 =	simm.s32 $_size__tile_overlayer_lowered;
	s5 =	simm.s32 $_tile_overlayer_lowered  }
0x9b: {  	s22 =	simm.s32 $0x1BFF;
	s21 =	sshll.u32 s5, $0x1;
	s2 =	sadd.s32 s19, s18  }
0x9c: {  	s6 =	simm.s32 $0x0;
	s20 =	sshll.u32 s4, $0x1;
	s4 =	sadd.s32 s21, s2  }
0x9d: {  	[timem:s6], [sflag:s22] =	dma.local [hbm:s4], s20  }
0x9e: {  	_ =	swait.ge [sflag:s22], s20  }
0x9f: {  	s3 =	ssub.s32 $0x0, s20;
	[sflag:s22] =	ssyncset.done $0x0  }
0xa0: {  	[sflag:s22] =	ssyncadd.s32 s3;
	_ =	sdelay $0x1  }
0xa1: {  	s23 =	simm.s32 $0x1B8B  }
0xa2: {  	_ =	swait.ge [sflag:s23], $0x1  }
0xa3: {  	[sflag:s23] =	ssyncset.done $0x0  }
0xa4: {  	s25 =	simm.s32 $0x1B8E;
	s24 =	sld [smem:$0x3FFE];
	[sflag:s23] =	ssyncadd.s32 $0xFFFFFFFF  }
0xa5: {  	s26 =	simm.s32 $execute0_lowered;
	[smem:$0x3FD2] =	sst s25  }
0xa6: {  	s4 =	sshll.u32 s26, $0x1;
	_ =	strace $0x80000046;
	[dreg:$0x1] =	wrdreg $0xFFFFFFFF  }
0xa7: {  	s28 =	simm.s32 $_size_execute0_lowered;
	s2 =	sadd.s32 s2, s4;
	[dreg:$0x0] =	wrdreg $0x0  }
0xa8: {  	s4 =	sshll.u32 s28, $0x1;
	[dreg:$0x2] =	wrdreg s2  }
0xa9: {  	[dreg:$0x3] =	wrdreg s4  }
0xaa: {  	[dreg:$0x4] =	wrdreg $0xC0  }
0xab: {  	_ =	task [dreg:s6], $0x5FFFF  }
0xac: {  	[dreg:$0x1] =	wrdreg $0xFFFFFFFF  }
0xad: {  	[dreg:$0x0] =	wrdreg $0x60  }
0xae: {  	[dreg:$0x2] =	wrdreg s24  }
0xaf: {  	[dreg:$0x3] =	wrdreg $0x9  }
0xb0: {  	_ =	task.clear_ibuf [dreg:s6], $0x4FFFF;
	_ =	strace $0x90000046  }
0xb1: {  	s29 =	simm.s32 $0x9;
	_ =	strace $0x80000048  }
0xb2: {  	_ =	swait.ge [sflag:s29], $0x1  }
0xb3: {  	[sflag:s29] =	ssyncadd.s32 $0xFFFFFFFF  }
0xb4: {  	_ =	strace $0x90000048  }
0xb5: {  	_ =	sfence  }
0xb6: {  	s30 =	sld [smem:$0x0];
	_ =	sdelay $0x2  }
0xb7: {  	s31 =	sshll.u32 s1, $0xD;
	s1 =	sshrl.u32 s1, $0x2  }
0xb8: {  	s3 =	sand.u32 $0x4000, s31;
	s1 =	sadd.s32 s1, s30  }
0xb9: {  	s0 =	sor.u32 s3, s0;
	s1 =	sshll.u32 s1, $0x11  }
0xba: {  	s0 =	sor.u32 s1, s0  }
0xbb: {  	s0 =	sadd.s32 $0x8F2B, s0  }
0xbc: {  	[sflag:s0] =	ssyncadd.remote.s32 $0x1  }
0xbd: {  	_ =	sfence.sel $0xFFFF  }
0xbe: {  	[dreg:$0x0] =	wrdreg $0xFFFFFFFF;
	(pc) =	sbr.abs _section_cstart, $3  }
0xbf: {  	[dreg:$0x1] =	wrdreg $0xFFFFFFFF  }
0xc0: {  	_ =	task.clear_ibuf [dreg:s6], $0x2FFFF;
	_ =	strace $0x9FFFFFFF  }
0xc1: {  	(tm) =	ssettm $0x7FFFFFFF  }
tec
execute0_lowered:
.L_overlay_start_1:
0x0: {  	(tag) =	ssettag $0x1  }
0x1: {  	s1 =	srdreg.scid;
	s0 =	stileid.u32  }
0x2: {  	s3 =	rddreg [dreg:$0x0];
	s2 =	simm.s32 $0x0;
	s8 =	simm.s32 $0x0  }
0x3: {  	s4 =	sand.u32 $0x1, s1;
	s5 =	sshll.u32 s0, $0x1;
	s1 =	rddreg [dreg:$0x1]  }
0x4: {  	[smem:$0x7FF] =	sst s2;
	s5 =	sor.u32 s4, s5;
	s4 =	ssub.s32 $0x2, s4  }
0x5: {  	s6 =	smul.u32 $0xC80, s5;
	s5 =	sshll.u32 s5, $0xC;
	s7 =	sshrl.u32 s4, $0x1  }
0x6: {  	_ =	strace $0x80000047;
	s5 =	sadd.s32 s5, s3;
	s7 =	ssub.s32 s4, s7  }
0x7: {  	s6 =	sadd.s32 s6, s3;
	s3 =	sadd.s32 $0xC00, s5;
	s5 =	smax.u32 s7, $0x1  }
0x8: {  	s7 =	simm.s32 $0x8000;
	s4 =	sadd.s32 $0x20C00, s6;
	s6 =	simm.s32 $0x1  }
.LBB2_1:
0x9: {  	[tilespmem:s2], [sflag:$0x1] =	stream.linear.gather [hbm4b:s3+s2], $0x8000, $0x38;
	[tilespmem:$0xE400] =	vst v63  }
0xa: {  	_ =	swait.ge [sflag:s6], $0x8000  }
0xb: {  	s9 =	sand.u32 $0x7800, s2;
	s10 =	sand.u32 $0x380, s2;
	[sflag:s6] =	ssyncset.done $0x0  }
0xc: {  	s13 =	sor.u32 s10, s9;
	[sflag:s6] =	ssyncadd.s32 $0xFFFF8000  }
0xd: {  	v0 =	vld [tilespmem:s13+$0x0];
	_ =	sdelay $0x3  }
0xe: {  	s9 =	simm.s32 $0x8060  }
0xf: {  	[tilespmem:s9+$0xFFFFFFA0] =	vst v0  }
0x10: {  	v0 =	vld [tilespmem:s13+$0x10];
	_ =	sdelay $0x4  }
0x11: {  	[tilespmem:s9+$0xFFFFFFB0] =	vst v0  }
0x12: {  	v0 =	vld [tilespmem:s13+$0x20];
	_ =	sdelay $0x4  }
0x13: {  	[tilespmem:s9+$0xFFFFFFC0] =	vst v0  }
0x14: {  	v0 =	vld [tilespmem:s13+$0x30];
	_ =	sdelay $0x4  }
0x15: {  	[tilespmem:s9+$0xFFFFFFD0] =	vst v0  }
0x16: {  	v0 =	vld [tilespmem:s13+$0x40];
	_ =	sdelay $0x4  }
0x17: {  	[tilespmem:s9+$0xFFFFFFE0] =	vst v0  }
0x18: {  	v0 =	vld [tilespmem:s13+$0x50];
	_ =	sdelay $0x4  }
0x19: {  	[tilespmem:s9+$0xFFFFFFF0] =	vst v0  }
0x1a: {  	v0 =	vld [tilespmem:s13+$0x60];
	_ =	sdelay $0x4  }
0x1b: {  	[tilespmem:s9+$0x0] =	vst v0  }
0x1c: {  	v0 =	vld [tilespmem:s13+$0x70];
	_ =	sdelay $0x4  }
0x1d: {  	[tilespmem:s9+$0x10] =	vst v0  }
0x1e: {  	v0 =	vld [tilespmem:s13+$0x400];
	_ =	sdelay $0x3  }
0x1f: {  	s31 =	sand.u32 $0x7FF8, s2  }
0x20: {  	[tilespmem:s31+$0x8080] =	vst v0  }
0x21: {  	v0 =	vld [tilespmem:s13+$0x410];
	_ =	sdelay $0x4  }
0x22: {  	[tilespmem:s9+$0x30] =	vst v0  }
0x23: {  	v0 =	vld [tilespmem:s13+$0x420];
	_ =	sdelay $0x4  }
0x24: {  	[tilespmem:s9+$0x40] =	vst v0  }
0x25: {  	v0 =	vld [tilespmem:s13+$0x430];
	_ =	sdelay $0x4  }
0x26: {  	[tilespmem:s9+$0x50] =	vst v0  }
0x27: {  	v0 =	vld [tilespmem:s13+$0x438];
	_ =	sdelay $0x2  }
0x28: {  	s11 =	simm.s32 $0x80;
	s12 =	simm.s32 $0x100;
	s10 =	simm.s32 $0xC8  }
0x29: {  	s14 =	sand.u32 $0x7800, s12;
	s15 =	sand.u32 $0x380, s11;
	s13 =	simm.s32 $0x190  }
.LBB2_2:
0x2a: {  	p0 =	sne.s32 s13, $0x6338;
	s14 =	sor.u32 s15, s14;
	[tilespmem:s9+$0x58] =	vst v0  }
0x2b: {  	v0 =	vld [tilespmem:s14+$0x0];
	_ =	sdelay $0x3  }
0x2c: {  	s9 =	sadd.s32 $0xC8, s9  }
0x2d: {  	[tilespmem:s9+$0xFFFFFFA0] =	vst v0  }
0x2e: {  	v0 =	vld [tilespmem:s14+$0x10];
	_ =	sdelay $0x4  }
0x2f: {  	[tilespmem:s9+$0xFFFFFFB0] =	vst v0  }
0x30: {  	v0 =	vld [tilespmem:s14+$0x20];
	_ =	sdelay $0x4  }
0x31: {  	[tilespmem:s9+$0xFFFFFFC0] =	vst v0  }
0x32: {  	v0 =	vld [tilespmem:s14+$0x30];
	_ =	sdelay $0x4  }
0x33: {  	[tilespmem:s9+$0xFFFFFFD0] =	vst v0  }
0x34: {  	v0 =	vld [tilespmem:s14+$0x40];
	_ =	sdelay $0x4  }
0x35: {  	[tilespmem:s9+$0xFFFFFFE0] =	vst v0  }
0x36: {  	v0 =	vld [tilespmem:s14+$0x50];
	_ =	sdelay $0x4  }
0x37: {  	[tilespmem:s9+$0xFFFFFFF0] =	vst v0  }
0x38: {  	v0 =	vld [tilespmem:s14+$0x60];
	_ =	sdelay $0x4  }
0x39: {  	[tilespmem:s9+$0x0] =	vst v0  }
0x3a: {  	v0 =	vld [tilespmem:s14+$0x70];
	_ =	sdelay $0x4  }
0x3b: {  	[tilespmem:s9+$0x10] =	vst v0  }
0x3c: {  	v0 =	vld [tilespmem:s14+$0x400];
	_ =	sdelay $0x3  }
0x3d: {  	s15 =	sand.u32 $0x7FF8, s10;
	s10 =	smov.u32 s13  }
0x3e: {  	[tilespmem:s15+$0x8080] =	vst v0  }
0x3f: {  	v0 =	vld [tilespmem:s14+$0x410];
	_ =	sdelay $0x4  }
0x40: {  	[tilespmem:s9+$0x30] =	vst v0  }
0x41: {  	v0 =	vld [tilespmem:s14+$0x420];
	_ =	sdelay $0x4  }
0x42: {  	[tilespmem:s9+$0x40] =	vst v0  }
0x43: {  	v0 =	vld [tilespmem:s14+$0x430];
	_ =	sdelay $0x4  }
0x44: {  	[tilespmem:s9+$0x50] =	vst v0  }
.Ltmp0:
0x45: {  	v0 =	vld [tilespmem:s14+$0x438];
	(pc) =	sbr.rel @p0 .LBB2_2-.Ltmp0, $3  }
0x46: {  	_ =	sdelay $0x1  }
0x47: {  	s11 =	sadd.s32 $0x80, s11;
	s12 =	sadd.s32 $0x100, s12  }
0x48: {  	s13 =	sadd.s32 $0xC8, s13;
	s15 =	sand.u32 $0x380, s11;
	s14 =	sand.u32 $0x7800, s12  }
0x49: {  	s11 =	sor.u32 s15, s14;
	[tilespmem:s9+$0x58] =	vst v0  }
0x4a: {  	v0 =	vld [tilespmem:s11+$0x0];
	_ =	sdelay $0x3  }
0x4b: {  	s31 =	sadd.s32 $0xC8, s9  }
0x4c: {  	[tilespmem:s31+$0xFFFFFFA0] =	vst v0  }
0x4d: {  	v0 =	vld [tilespmem:s11+$0x10];
	_ =	sdelay $0x4  }
0x4e: {  	[tilespmem:s31+$0xFFFFFFB0] =	vst v0  }
0x4f: {  	v0 =	vld [tilespmem:s11+$0x20];
	_ =	sdelay $0x4  }
0x50: {  	[tilespmem:s31+$0xFFFFFFC0] =	vst v0  }
0x51: {  	v0 =	vld [tilespmem:s11+$0x30];
	_ =	sdelay $0x4  }
0x52: {  	[tilespmem:s31+$0xFFFFFFD0] =	vst v0  }
0x53: {  	v0 =	vld [tilespmem:s11+$0x40];
	_ =	sdelay $0x4  }
0x54: {  	[tilespmem:s31+$0xFFFFFFE0] =	vst v0  }
0x55: {  	v0 =	vld [tilespmem:s11+$0x50];
	_ =	sdelay $0x4  }
0x56: {  	[tilespmem:s31+$0xFFFFFFF0] =	vst v0  }
0x57: {  	v0 =	vld [tilespmem:s11+$0x60];
	_ =	sdelay $0x4  }
0x58: {  	[tilespmem:s31+$0x0] =	vst v0  }
0x59: {  	v0 =	vld [tilespmem:s11+$0x70];
	_ =	sdelay $0x4  }
0x5a: {  	[tilespmem:s31+$0x10] =	vst v0  }
0x5b: {  	v0 =	vld [tilespmem:s11+$0x400];
	_ =	sdelay $0x3  }
0x5c: {  	s10 =	sand.u32 $0x7FF8, s10  }
0x5d: {  	[tilespmem:s10+$0x8080] =	vst v0  }
0x5e: {  	v0 =	vld [tilespmem:s11+$0x410];
	_ =	sdelay $0x4  }
0x5f: {  	[tilespmem:s31+$0x30] =	vst v0  }
0x60: {  	v0 =	vld [tilespmem:s11+$0x420];
	_ =	sdelay $0x4  }
0x61: {  	[tilespmem:s31+$0x40] =	vst v0  }
0x62: {  	v0 =	vld [tilespmem:s11+$0x430];
	_ =	sdelay $0x4  }
0x63: {  	[tilespmem:s31+$0x50] =	vst v0  }
0x64: {  	v0 =	vld [tilespmem:s11+$0x438];
	_ =	sdelay $0x2  }
0x65: {  	s8 =	sadd.s32 $0x1, s8  }
0x66: {  	p0 =	sne.s32 s8, s5  }
.Ltmp1:
0x67: {  	[tilespmem:s31+$0x58] =	vst v0;
	(pc) =	sbr.rel @p0 .LBB2_1-.Ltmp1, $4  }
0x68: {  	[hbm4b:s4+s2] =	stream.linear.scatter [tilespmem:s7], [sflag:$0x1], $0x6400, $0x38;
	[tilespmem:$0xE400] =	vst v63  }
0x69: {  	_ =	swait.ge [sflag:s6], $0x6400  }
0x6a: {  	[sflag:s6] =	ssyncset.done $0x0  }
0x6b: {  	[sflag:s6] =	ssyncadd.s32 $0xFFFF9C00  }
0x6c: {  	_ =	sfence.sel $0x180000  }
0x6d: {  	[bflag:$0x0] =	sbarrier.arrive $0xFFFF  }
0x6e: {  	p0 =	sne.s32 s0, $0x0;
	_ =	strace $0x90000047  }
0x6f: {  	s0 =	sadd.s32 @!p0 $0x100000, s1;
	[bflag:$0x2] =	sbarrier.arrive $0xFFFF  }
0x70: {  	[sflag:s0] =	ssyncadd.tile.s32 @!p0 $0x1;
	_ =	shalt  }
.Lfunc_end2:
_tile_overlayer_lowered:
.L_overlay_start_2:
0x71: {  	(tag) =	ssettag $0x2  }
0x72: {  	s0 =	rddreg [dreg:$0x0];
	s2 =	stileid.u32  }
0x73: {  	s1 =	rddreg [dreg:$0x1];
	p0 =	sne.s32 s2, $0x0  }
0x74: {  	s3 =	rddreg [dreg:$0x2];
	[bflag:$0x3] =	sbarrier.arrive $0xFFFF;
	s2 =	simm.s32 @!p0 $0x1C01  }
0x75: {  	[timem:s3], [sflag:s2] =	dma.local @!p0 [hbm:s0], s1  }
0x76: {  	s0 =	simm.s32 @!p0 $0x1  }
0x77: {  	_ =	swait.ge @!p0 [sflag:s0], s1  }
0x78: {  	s1 =	ssub.s32 @!p0 $0x0, s1;
	[sflag:s0] =	ssyncset.done @!p0 $0x0  }
0x79: {  	[sflag:s0] =	ssyncadd.s32 @!p0 s1  }
0x7a: {  	[bflag:$0x3] =	sbarrier.arrive $0xFFFF  }
0x7b: {  	_ =	shalt  }

// kernel: kernel.8.cloned.1.call-start
scs
__scs_entry_jumppad:
0x0: {  	(pc) =	sbr.rel $0x88, $3  }
0x1: {  	(tag) =	ssettag $0x0;
	lr =	simm.s32 $0x1  }
0x2: {  	[smem:$0x3F9D] =	sst lr;
	_ =	strace $0xD0000000  }
0x3: {  	_ = 	snop  }
0x4: {  	_ = 	snop  }
0x5: {  	_ = 	snop  }
0x6: {  	_ = 	snop  }
0x7: {  	_ = 	snop  }
__scs_overlays_trampoline_lowered:
0x8: {  	[smem:$0x3FAC] =	sst s0  }
0x9: {  	[smem:$0x3FAD] =	sst s1  }
0xa: {  	[smem:$0x3FAE] =	sst s2  }
0xb: {  	[smem:$0x3FAF] =	sst s3  }
0xc: {  	[smem:$0x3FB0] =	sst s4  }
0xd: {  	[smem:$0x3FB1] =	sst s5  }
0xe: {  	[smem:$0x3FB2] =	sst s6  }
0xf: {  	[smem:$0x3FB3] =	sst s7  }
0x10: {  	[smem:$0x3FB4] =	sst s8  }
0x11: {  	[smem:$0x3FB5] =	sst s9;
	s0 =	simm.s32 @!p0 $0x0  }
0x12: {  	s1 =	sld [smem:$0x3F9B];
	s0 =	simm.s32 @p0 $0x1  }
0x13: {  	[smem:$0x3FB6] =	sst s0;
	s0 =	simm.s32 @!p1 $0x0  }
0x14: {  	s2 =	sld [smem:$0x3F9A];
	s0 =	simm.s32 @p1 $0x1  }
0x15: {  	[smem:$0x3FB7] =	sst s0;
	s0 =	simm.s32 @!p2 $0x0  }
0x16: {  	s3 =	sld [smem:$0x3FDB];
	s0 =	simm.s32 @p2 $0x1  }
0x17: {  	s4 =	simm.s32 $0x1BF5;
	[smem:$0x3FB9] =	sst s0  }
0x18: {  	s0 =	sld [smem:$0x3F9C];
	_ =	swait.ge [sflag:s4], $0x0  }
0x19: {  	s7 =	sld [smem:$0x3F9D]  }
0x1a: {  	s8 =	sadd.s32 $0xFFFFE003, lr  }
0x1b: {  	s9 =	sadd.s32 $0xFFFFFEF7, lr;
	s5 =	simm.s32 $0xFFFFFFFF;
	p2 =	slt.u32 s8, $0xFFFFF086  }
0x1c: {  	p1 =	slt.u32 s9, $0xF7A;
	s5 =	simm.s32 @!p2 $0x0  }
0x1d: {  	s5 =	simm.s32 @p1 $0x1;
	p0 =	seq.s32 s7, s2  }
0x1e: {  	s7 =	smul.u32 @!p0 $0xF7A, s2;
	p2 =	seq.s32 @!p0 s5, $0x0  }
0x1f: {  	s9 =	smul.u32 $0xF7A, s1;
	s8 =	simm.s32 @!p0 $0x1BF5;
	p2 =	por !p2, p0  }
0x20: {  	[sflag:s8] =	ssyncset.s32 @!p0 $0xFFFFF086;
	s6 =	sadd.s32 @!p0 s3, s7;
	s7 =	simm.s32 @!p0 $0x108  }
0x21: {  	s3 =	sadd.s32 s3, s9;
	s6 =	sadd.s32 @!p0 $0x88, s6;
	s7 =	simm.s32 @p2 $0x1082  }
0x22: {  	[simem:s7], [sflag:s8] =	dma.local @!p0 [hbm:s6], $0xF7A  }
0x23: {  	s9 =	sor.u32 $0xD0000000, s2;
	s6 =	simm.s32 $0x108;
	_ =	swait.ge @!p0 [sflag:s8], $0x0  }
0x24: {  	s3 =	sadd.s32 $0x88, s3;
	s6 =	simm.s32 @!p1 $0x1082;
	[sflag:s4] =	ssyncset.s32 $0xFFFFF086  }
0x25: {  	[simem:s6], [sflag:s4] =	dma.local [hbm:s3], $0xF7A  }
0x26: {  	[smem:$0x3F9D] =	sst s1;
	(tag) =	ssettag s2;
	_ =	strace s9  }
0x27: {  	s1 =	sld [smem:$0x3FAD]  }
0x28: {  	s2 =	sld [smem:$0x3FAE]  }
0x29: {  	s4 =	sld [smem:$0x3FB0]  }
0x2a: {  	p0 =	seq.s32 s5, $0x0;
	s5 =	sld [smem:$0x3FB1]  }
0x2b: {  	s6 =	sld [smem:$0x3FB2]  }
0x2c: {  	s7 =	sld [smem:$0x3FB3]  }
0x2d: {  	s3 =	simm.s32 $0x108;
	s8 =	sld [smem:$0x3FB4]  }
0x2e: {  	s3 =	simm.s32 @!p0 $0x1082;
	s9 =	sld [smem:$0x3FB5]  }
0x2f: {  	lr =	sadd.s32 s0, s3;
	s0 =	sld [smem:$0x3FAC]  }
0x30: {  	s3 =	sld [smem:$0x3FAF]  }
0x31: {  	[smem:$0x3FB8] =	sst s10  }
0x32: {  	s10 =	sld [smem:$0x3FB6];
	_ =	sdelay $0x3  }
0x33: {  	p0 =	seq.s32 s10, $0x1;
	s10 =	sld [smem:$0x3FB8];
	_ =	sdelay $0x3  }
0x34: {  	[smem:$0x3FB8] =	sst s10  }
0x35: {  	s10 =	sld [smem:$0x3FB7];
	_ =	sdelay $0x3  }
0x36: {  	p1 =	seq.s32 s10, $0x1;
	s10 =	sld [smem:$0x3FB8];
	_ =	sdelay $0x3  }
0x37: {  	[smem:$0x3FB8] =	sst s10  }
0x38: {  	s10 =	sld [smem:$0x3FB9]  }
0x39: {  	_ = 	snop;
	(pc) =	sbr.ind lr, $3  }
0x3a: {  	_ = 	snop  }
0x3b: {  	_ = 	snop  }
0x3c: {  	p2 =	seq.s32 s10, $0x1;
	s10 =	sld [smem:$0x3FB8]  }
0x3d: {  	_ =	shalt  }
0x3e: {  	_ =	shalt  }
0x3f: {  	_ =	shalt  }
0x40: {  	_ =	shalt  }
0x41: {  	_ =	shalt  }
0x42: {  	_ =	shalt  }
0x43: {  	_ =	shalt  }
0x44: {  	_ =	shalt  }
0x45: {  	_ =	shalt  }
0x46: {  	_ =	shalt  }
0x47: {  	_ =	shalt  }
0x48: {  	_ =	shalt  }
0x49: {  	_ =	shalt  }
0x4a: {  	_ =	shalt  }
0x4b: {  	_ =	shalt  }
0x4c: {  	_ =	shalt  }
0x4d: {  	_ =	shalt  }
0x4e: {  	_ =	shalt  }
0x4f: {  	_ =	shalt  }
0x50: {  	_ =	shalt  }
0x51: {  	_ =	shalt  }
0x52: {  	_ =	shalt  }
0x53: {  	_ =	shalt  }
0x54: {  	_ =	shalt  }
0x55: {  	_ =	shalt  }
0x56: {  	_ =	shalt  }
0x57: {  	_ =	shalt  }
0x58: {  	_ =	shalt  }
0x59: {  	_ =	shalt  }
0x5a: {  	_ =	shalt  }
0x5b: {  	_ =	shalt  }
0x5c: {  	_ =	shalt  }
0x5d: {  	_ =	shalt  }
0x5e: {  	_ =	shalt  }
0x5f: {  	_ =	shalt  }
0x60: {  	_ =	shalt  }
0x61: {  	_ =	shalt  }
0x62: {  	_ =	shalt  }
0x63: {  	_ =	shalt  }
0x64: {  	_ =	shalt  }
0x65: {  	_ =	shalt  }
0x66: {  	_ =	shalt  }
0x67: {  	_ =	shalt  }
0x68: {  	_ =	shalt  }
0x69: {  	_ =	shalt  }
0x6a: {  	_ =	shalt  }
0x6b: {  	_ =	shalt  }
0x6c: {  	_ =	shalt  }
0x6d: {  	_ =	shalt  }
0x6e: {  	_ =	shalt  }
0x6f: {  	_ =	shalt  }
0x70: {  	_ =	shalt  }
0x71: {  	_ =	shalt  }
0x72: {  	_ =	shalt  }
0x73: {  	_ =	shalt  }
0x74: {  	_ =	shalt  }
0x75: {  	_ =	shalt  }
0x76: {  	_ =	shalt  }
0x77: {  	_ =	shalt  }
0x78: {  	_ =	shalt  }
0x79: {  	_ =	shalt  }
0x7a: {  	_ =	shalt  }
0x7b: {  	_ =	shalt  }
0x7c: {  	_ =	shalt  }
0x7d: {  	_ =	shalt  }
0x7e: {  	_ =	shalt  }
0x7f: {  	_ =	shalt  }
0x80: {  	_ =	shalt  }
0x81: {  	_ =	shalt  }
0x82: {  	_ =	shalt  }
0x83: {  	_ =	shalt  }
0x84: {  	_ =	shalt  }
0x85: {  	_ =	shalt  }
0x86: {  	_ =	shalt  }
0x87: {  	_ =	shalt  }
.Lfunc_end0:
.L_simem_size_0:
called_computation.1_lowered:
.L_overlay_start_0:
0x88: {  	s2 =	sld [smem:$0x3FD9]  }
0x89: {  	s3 =	sld [smem:$0x3FFE];
	_ =	sdelay $0x1  }
0x8a: {  	s1 =	srdreg.scid  }
0x8b: {  	s0 =	sand.u32 $0x1, s1  }
0x8c: {  	s17 =	sshll.u32 s0, $0xA;
	s2 =	sadd.s32 s3, s2  }
0x8d: {  	s2 =	sadd.s32 s2, s17  }
0x8e: {  	[smem:$0x3FC4] =	sst s2  }
0x8f: {  	_ = 	snop  }
0x90: {  	s2 =	sld [smem:$0x3FD0];
	(tm) =	ssettm $0x1  }
0x91: {  	s18 =	sld [smem:$0x3FFB];
	_ =	sdelay $0x3  }
0x92: {  	_ =	strace s18  }
0x93: {  	s3 =	sld [smem:$0x3FFC];
	_ =	sdelay $0x3  }
0x94: {  	_ =	strace s3  }
0x95: {  	s3 =	sld [smem:$0x3FFD];
	_ =	sdelay $0x3  }
0x96: {  	_ =	strace s3  }
0x97: {  	_ =	strace $0x8FFFFFFF  }
0x98: {  	s19 =	sld [smem:$0x3FDB];
	_ =	sdelay $0x1  }
0x99: {  	s4 =	simm.s32 $_scs_section_size  }
0x9a: {  	s5 =	simm.s32 $_size__tile_overlayer_lowered;
	s6 =	simm.s32 $_tile_overlayer_lowered  }
0x9b: {  	s22 =	simm.s32 $0x1BFF;
	s21 =	sshll.u32 s6, $0x1;
	s3 =	sadd.s32 s4, s19  }
0x9c: {  	s7 =	simm.s32 $0x0;
	s20 =	sshll.u32 s5, $0x1;
	s5 =	sadd.s32 s21, s3  }
0x9d: {  	[timem:s7], [sflag:s22] =	dma.local [hbm:s5], s20  }
0x9e: {  	_ =	swait.ge [sflag:s22], s20  }
0x9f: {  	s4 =	ssub.s32 $0x0, s20;
	[sflag:s22] =	ssyncset.done $0x0  }
0xa0: {  	[sflag:s22] =	ssyncadd.s32 s4;
	_ =	sdelay $0x1  }
0xa1: {  	s23 =	simm.s32 $0x1B8B  }
0xa2: {  	_ =	swait.ge [sflag:s23], $0x1  }
0xa3: {  	[sflag:s23] =	ssyncset.done $0x0  }
0xa4: {  	s25 =	simm.s32 $0x1B8E;
	s24 =	sld [smem:$0x3FFE];
	[sflag:s23] =	ssyncadd.s32 $0xFFFFFFFF  }
0xa5: {  	s26 =	simm.s32 $execute0_lowered;
	[smem:$0x3FD2] =	sst s25  }
0xa6: {  	s5 =	sshll.u32 s26, $0x1;
	_ =	strace $0x80000049;
	[dreg:$0x1] =	wrdreg $0xFFFFFFFF  }
0xa7: {  	s28 =	simm.s32 $_size_execute0_lowered;
	s3 =	sadd.s32 s3, s5;
	[dreg:$0x0] =	wrdreg $0x0  }
0xa8: {  	s5 =	sshll.u32 s28, $0x1;
	[dreg:$0x2] =	wrdreg s3  }
0xa9: {  	[dreg:$0x3] =	wrdreg s5  }
0xaa: {  	[dreg:$0x4] =	wrdreg $0xC0  }
0xab: {  	_ =	task [dreg:s7], $0x5FFFF  }
0xac: {  	[dreg:$0x1] =	wrdreg $0xFFFFFFFF  }
0xad: {  	[dreg:$0x0] =	wrdreg $0x60  }
0xae: {  	[dreg:$0x2] =	wrdreg s24  }
0xaf: {  	[dreg:$0x3] =	wrdreg s2  }
0xb0: {  	[dreg:$0x4] =	wrdreg $0x9  }
0xb1: {  	_ =	task.clear_ibuf [dreg:s7], $0x5FFFF;
	_ =	strace $0x90000049  }
0xb2: {  	s29 =	simm.s32 $0x9;
	_ =	strace $0x8000004B  }
0xb3: {  	_ =	swait.ge [sflag:s29], $0x1  }
0xb4: {  	[sflag:s29] =	ssyncadd.s32 $0xFFFFFFFF  }
0xb5: {  	_ =	strace $0x9000004B  }
0xb6: {  	_ =	sfence  }
0xb7: {  	s30 =	sld [smem:$0x0];
	_ =	sdelay $0x2  }
0xb8: {  	s31 =	sshll.u32 s1, $0xD;
	s1 =	sshrl.u32 s1, $0x2  }
0xb9: {  	s3 =	sand.u32 $0x4000, s31;
	s1 =	sadd.s32 s1, s30  }
0xba: {  	s0 =	sor.u32 s3, s0;
	s1 =	sshll.u32 s1, $0x11  }
0xbb: {  	s0 =	sor.u32 s1, s0  }
0xbc: {  	s0 =	sadd.s32 $0x8F2B, s0  }
0xbd: {  	[sflag:s0] =	ssyncadd.remote.s32 $0x1  }
0xbe: {  	_ =	sfence.sel $0xFFFF  }
0xbf: {  	[dreg:$0x0] =	wrdreg $0xFFFFFFFF;
	(pc) =	sbr.abs _section_cstart, $3  }
0xc0: {  	[dreg:$0x1] =	wrdreg $0xFFFFFFFF  }
0xc1: {  	_ =	task.clear_ibuf [dreg:s7], $0x2FFFF;
	_ =	strace $0x9FFFFFFF  }
0xc2: {  	(tm) =	ssettm $0x7FFFFFFF  }
0xc3: {  	_ =	shalt  }
tec
execute0_lowered:
.L_overlay_start_1:
0x0: {  	(tag) =	ssettag $0x1  }
0x1: {  	s4 =	rddreg [dreg:$0x0]  }
0x2: {  	s1 =	srdreg.scid;
	s0 =	stileid.u32  }
0x3: {  	s5 =	rddreg [dreg:$0x1];
	s2 =	simm.s32 $0x0;
	s10 =	simm.s32 $0x12C00  }
0x4: {  	s11 =	simm.s32 $0x3;
	s3 =	sand.u32 $0x1, s1;
	s1 =	rddreg [dreg:$0x2]  }
0x5: {  	v0 =	vlaneseq.u32;
	s12 =	simm.s32 $0x0;
	s6 =	sshll.u32 s0, $0x1;
	[smem:$0x7FF] =	sst s2  }
0x6: {  	v0 =	vmul.u32 $0xC8, v0;
	s6 =	sor.u32 s3, s6;
	s8 =	ssub.s32 $0x2, s3;
	_ =	strace $0x8000004A  }
0x7: {  	s7 =	smul.u32 $0xC80, s6;
	s9 =	sshrl.u32 s8, $0x1;
	s6 =	sshll.u32 s6, $0x4  }
0x8: {  	v1 =	vimm.s32 $0x0;
	s3 =	sadd.s32 $0x39C00, s4;
	v2 =	vadd.s32 $0xC80, v0;
	s31 =	ssub.s32 s8, s9;
	s5 =	sadd.s32 s5, s6  }
0x9: {  	v3 =	vadd.s32 $0x1900, v0;
	v4 =	vadd.s32 $0x2580, v0;
	v5 =	vadd.s32 $0x3200, v0;
	s8 =	simm.s32 $0x1;
	s9 =	simm.s32 $0x2;
	s4 =	sadd.s32 s7, s4  }
0xa: {  	v6 =	vadd.s32 $0x3E80, v0;
	v7 =	vadd.s32 $0x4B00, v0;
	v8 =	vadd.s32 $0x5780, v0;
	s6 =	smax.u32 s31, $0x1;
	s7 =	simm.s32 $0xC800;
	s4 =	sadd.s32 $0x20C00, s4  }
.LBB2_1:
0xb: {  	[tilespmem:s7], [sflag:$0x1] =	stream.linear.gather [hbm4b:s4+s2], $0x6400, $0x38;
	[tilespmem:$0x12C80] =	vst v63  }
0xc: {  	_ = 	snop  }
0xd: {  	[tilespmem:s2], [sflag:$0x2] =	stream.linear.gather [hbm4b:s3+s2], $0xC800, $0x38;
	[tilespmem:$0x12C80] =	vst v63  }
0xe: {  	_ =	swait.ge [sflag:s8], $0x6400  }
0xf: {  	v9 =	vadd.s32 s2, v7;
	[sflag:s8] =	ssyncset.done $0x0  }
0x10: {  	v10 =	vadd.s32 s2, v4;
	[sflag:s8] =	ssyncadd.s32 $0xFFFF9C00  }
0x11: {  	v11 =	vadd.s32 s2, v2;
	_ =	swait.ge [sflag:s9], $0xC800  }
0x12: {  	v12 =	vadd.s32 s2, v8;
	[sflag:s9] =	ssyncset.done $0x0  }
0x13: {  	v13 =	vadd.s32 s2, v5;
	[sflag:s9] =	ssyncadd.s32 $0xFFFF3800  }
0x14: {  	v14 =	vadd.s32 s2, v0;
	v15 =	vld.idx.msk [tilespmem:v9+s7+$0x0], $0xffff  }
0x15: {  	v16 =	vadd.s32 s2, v6;
	v10 =	vld.idx.msk [tilespmem:v10+s7+$0x0], $0xffff  }
0x16: {  	v17 =	vadd.s32 s2, v3;
	s13 =	simm.s32 $0x1;
	v11 =	vld.idx.msk [tilespmem:v11+s7+$0x0], $0xffff  }
0x17: {  	v25 =	vadd.s32 s13, v6;
	v12 =	vld.idx.msk [tilespmem:v12+s7+$0x0], $0xffff  }
0x18: {  	v13 =	vld.idx.msk [tilespmem:v13+s7+$0x0], $0xffff  }
0x19: {  	v14 =	vld.idx.msk [tilespmem:v14+s7+$0x0], $0xffff  }
0x1a: {  	v20 =	vadd.s32 s13, v4;
	v26 =	vadd.s32 s13, v2;
	v16 =	vld.idx.msk [tilespmem:v16+s7+$0x0], $0xffff;
	vm2 =	vgt.s32 v15, $0xC7FF  }
0x1b: {  	v23 =	vadd.s32 s13, v0;
	v17 =	vld.idx.msk [tilespmem:v17+s7+$0x0], $0xffff;
	vm4 =	vgt.s32 v10, $0xC7FF;
	v18 =	vsel vm2, $0xFFFF3800, v1  }
0x1c: {  	v34 =	vld.idx.msk [tilespmem:v25+s7+$0x0], $0xffff;
	vm3 =	vgt.s32 v11, $0xC7FF;
	v19 =	vsel vm4, $0xFFFF3800, v1;
	v15 =	vadd.s32 v15, v18  }
0x1d: {  	v24 =	vadd.s32 s13, v5;
	v10 =	vadd.s32 v10, v19;
	v19 =	vsel vm3, $0xFFFF3800, v1  }
0x1e: {  	v27 =	vadd.s32 s13, v3;
	v9 =	vimm.f32 $0.0e+00;
	v11 =	vadd.s32 v11, v19  }
0x1f: {  	v26 =	vld.idx.msk [tilespmem:v26+s7+$0x0], $0xffff;
	vm0 =	vgt.s32 v12, $0xC7FF;
	vm5 =	vgt.s32 v13, $0xC7FF;
	vm1 =	vgt.s32 v14, $0xC7FF  }
0x20: {  	v37 =	vld.idx.msk [tilespmem:v23+s7+$0x0], $0xffff;
	vm6 =	vgt.s32 v16, $0xC7FF;
	vm0 =	vmmov vm0;
	v18 =	vadd.s32 s13, v7  }
0x21: {  	vm8 =	vgt.s32 v17, $0xC7FF;
	vm10 =	vgt.s32 v34, $0xC7FF;
	v19 =	vsel vm0, $0xFFFF3800, v1;
	v15 =	vld.idx.msk [tilespmem:v15+s2+$0x0], $0xffff  }
0x22: {  	v21 =	vsel vm5, $0xFFFF3800, v1;
	v22 =	vsel vm1, $0xFFFF3800, v1;
	v12 =	vadd.s32 v12, v19;
	v10 =	vld.idx.msk [tilespmem:v10+s2+$0x0], $0xffff  }
0x23: {  	v28 =	vsel vm6, $0xFFFF3800, v1;
	vm9 =	vmmov vm1;
	v19 =	vadd.s32 s13, v8;
	v11 =	vld.idx.msk [tilespmem:v11+s2+$0x0], $0xffff  }
0x24: {  	vm7 =	vmmov vm6;
	vm1 =	vmmov vm8;
	vm6 =	vgt.s32 v26, $0xC7FF  }
0x25: {  	v29 =	vadd.s32 v13, v21;
	v13 =	vadd.s32 v16, v28;
	v16 =	vld.idx.msk [tilespmem:v18+s7+$0x0], $0xffff;
	v18 =	vsel vm8, $0xFFFF3800, v1  }
0x26: {  	v20 =	vld.idx.msk [tilespmem:v20+s7+$0x0], $0xffff;
	v14 =	vadd.s32 v14, v22;
	vm8 =	vgt.s32 v37, $0xC7FF;
	v17 =	vadd.s32 v17, v18  }
0x27: {  	v39 =	vsel vm8, $0xFFFF3800, v1;
	v22 =	vld.idx.msk [tilespmem:v12+s2+$0x0], $0xffff;
	v21 =	vand.u32 $0xFFFF0000, v15;
	v12 =	vshll.u32 v15, $0x10  }
0x28: {  	v19 =	vld.idx.msk [tilespmem:v19+s7+$0x0], $0xffff;
	v15 =	vand.u32 $0xFFFF0000, v10;
	v10 =	vshll.u32 v10, $0x10;
	v28 =	vand.u32 $0xFFFF0000, v11  }
0x29: {  	s31 =	simm.s32 $0x2;
	v10 =	vsel vm4, v15, v10;
	v15 =	vshll.u32 v11, $0x10;
	v12 =	vsel vm2, v21, v12  }
0x2a: {  	v30 =	vld.idx.msk [tilespmem:v13+s2+$0x0], $0xffff;
	vm2 =	vmmov vm5;
	v21 =	vadd.s32 s31, v4;
	vm4 =	vgt.s32 v16, $0xC7FF  }
0x2b: {  	vm5 =	vgt.s32 v20, $0xC7FF;
	v36 =	vld.idx.msk [tilespmem:v17+s2+$0x0], $0xffff;
	v17 =	vsel vm6, $0xFFFF3800, v1;
	v11 =	vadd.f32 v10, v9  }
0x2c: {  	v31 =	vld.idx.msk [tilespmem:v24+s7+$0x0], $0xffff;
	v10 =	vsel vm3, v28, v15;
	v15 =	vadd.s32 s31, v7;
	v12 =	vadd.f32 v12, v9  }
0x2d: {  	v14 =	vld.idx.msk [tilespmem:v14+s2+$0x0], $0xffff;
	vm3 =	vgt.s32 v19, $0xC7FF;
	v13 =	vand.u32 $0xFFFF0000, v22;
	v18 =	vshll.u32 v22, $0x10  }
0x2e: {  	v22 =	vsel vm4, $0xFFFF3800, v1;
	v24 =	vsel vm5, $0xFFFF3800, v1;
	v26 =	vadd.s32 v26, v17  }
0x2f: {  	v28 =	vadd.s32 s31, v8;
	v17 =	vadd.s32 s31, v6;
	v10 =	vadd.f32 v10, v9  }
0x30: {  	v13 =	vsel vm0, v13, v18;
	vm0 =	vmmov vm3;
	v18 =	vand.u32 $0xFFFF0000, v30  }
0x31: {  	vm3 =	vgt.s32 v31, $0xC7FF;
	v30 =	vshll.u32 v30, $0x10;
	v22 =	vadd.s32 v16, v22  }
0x32: {  	v20 =	vadd.s32 v20, v24;
	v16 =	vld.idx.msk [tilespmem:v27+s7+$0x0], $0xffff;
	v24 =	vshll.u32 v14, $0x10;
	v14 =	vand.u32 $0xFFFF0000, v14  }
0x33: {  	v27 =	vadd.s32 s31, v2;
	v23 =	vsel vm0, $0xFFFF3800, v1;
	v13 =	vadd.f32 v13, v9  }
0x34: {  	v25 =	vld.idx.msk [tilespmem:v29+s2+$0x0], $0xffff;
	v38 =	vsel vm3, $0xFFFF3800, v1;
	v14 =	vsel vm9, v14, v24;
	v40 =	vadd.s32 v19, v23  }
0x35: {  	v24 =	vadd.s32 s31, v5;
	v18 =	vsel vm7, v18, v30;
	v19 =	vadd.s32 s31, v0;
	v29 =	vld.idx.msk [tilespmem:v26+s2+$0x0], $0xffff  }
0x36: {  	v23 =	vadd.s32 s31, v3;
	v14 =	vadd.f32 v14, v9;
	v35 =	vshll.u32 v36, $0x10;
	v32 =	vld.idx.msk [tilespmem:v22+s2+$0x0], $0xffff  }
0x37: {  	v36 =	vand.u32 $0xFFFF0000, v36;
	v26 =	vsel vm10, $0xFFFF3800, v1;
	v33 =	vld.idx.msk [tilespmem:v20+s2+$0x0], $0xffff;
	vm11 =	vgt.s32 v16, $0xC7FF  }
0x38: {  	v22 =	vadd.s32 v31, v38;
	v20 =	vld.idx.msk [tilespmem:v15+s7+$0x0], $0xffff;
	v34 =	vadd.s32 v34, v26;
	v31 =	vadd.s32 v37, v39  }
0x39: {  	s13 =	simm.s32 $0x3;
	v15 =	vadd.f32 v18, v9;
	v18 =	vimm.f32 $0.0e+00;
	v30 =	vsel vm11, $0xFFFF3800, v1;
	v26 =	vld.idx.msk [tilespmem:v40+s2+$0x0], $0xffff  }
.LBB2_2:
0x3a: {  	v37 =	vld.idx.msk [tilespmem:v21+s7+$0x0], $0xffff;
	v21 =	vsel vm1, v36, v35;
	v35 =	vand.u32 $0xFFFF0000, v25;
	v25 =	vshll.u32 v25, $0x10  }
0x3b: {  	p0 =	sne.s32 s13, $0xC7;
	vm9 =	vmmov vm8;
	vm7 =	vmmov vm10;
	vm1 =	vmmov vm11;
	s14 =	smov.u32 s13;
	s13 =	sadd.s32 $0x1, s13  }
0x3c: {  	v36 =	vand.u32 $0xFFFF0000, v32;
	v32 =	vshll.u32 v32, $0x10;
	v38 =	vadd.s32 s14, v7;
	v28 =	vld.idx.msk [tilespmem:v28+s7+$0x0], $0xffff  }
0x3d: {  	v39 =	vand.u32 $0xFFFF0000, v33;
	v33 =	vshll.u32 v33, $0x10;
	v9 =	vadd.f32 v21, v9;
	v27 =	vld.idx.msk [tilespmem:v27+s7+$0x0], $0xffff  }
0x3e: {  	v32 =	vsel vm4, v36, v32;
	v21 =	vand.u32 $0xFFFF0000, v29;
	v33 =	vsel vm5, v39, v33;
	v34 =	vld.idx.msk [tilespmem:v34+s2+$0x0], $0xffff  }
0x3f: {  	v25 =	vsel vm2, v35, v25;
	v29 =	vshll.u32 v29, $0x10;
	v11 =	vadd.f32 v33, v11;
	v31 =	vld.idx.msk [tilespmem:v31+s2+$0x0], $0xffff  }
0x40: {  	v12 =	vadd.f32 v32, v12;
	v18 =	vadd.f32 v25, v18;
	v21 =	vsel vm6, v21, v29;
	v39 =	vld.idx.msk [tilespmem:v24+s7+$0x0], $0xffff  }
0x41: {  	vm2 =	vmmov vm3;
	v10 =	vadd.f32 v21, v10;
	v24 =	vadd.s32 v16, v30;
	v16 =	vld.idx.msk [tilespmem:v23+s7+$0x0], $0xffff  }
0x42: {  	vm3 =	vgt.s32 v28, $0xC7FF;
	v23 =	vshll.u32 v26, $0x10;
	v25 =	vld.idx.msk [tilespmem:v22+s2+$0x0], $0xffff;
	v22 =	vand.u32 $0xFFFF0000, v26  }
0x43: {  	v21 =	vadd.s32 s14, v4;
	v26 =	vld.idx.msk [tilespmem:v19+s7+$0x0], $0xffff;
	v19 =	vsel vm0, v22, v23;
	vm0 =	vmmov vm3  }
0x44: {  	vm4 =	vgt.s32 v20, $0xC7FF;
	vm5 =	vgt.s32 v37, $0xC7FF;
	v22 =	vand.u32 $0xFFFF0000, v34;
	v30 =	vld.idx.msk [tilespmem:v17+s7+$0x0], $0xffff  }
0x45: {  	v17 =	vsel vm4, $0xFFFF3800, v1;
	v23 =	vsel vm0, $0xFFFF3800, v1;
	v13 =	vadd.f32 v19, v13  }
0x46: {  	v29 =	vshll.u32 v34, $0x10;
	v19 =	vsel vm5, $0xFFFF3800, v1;
	vm3 =	vgt.s32 v39, $0xC7FF;
	v36 =	vld.idx.msk [tilespmem:v24+s2+$0x0], $0xffff  }
0x47: {  	vm6 =	vgt.s32 v27, $0xC7FF;
	v33 =	vadd.s32 v37, v19;
	v20 =	vadd.s32 v20, v17  }
0x48: {  	v17 =	vsel vm6, $0xFFFF3800, v1;
	v34 =	vsel vm3, $0xFFFF3800, v1;
	v24 =	vshll.u32 v31, $0x10  }
0x49: {  	v37 =	vadd.s32 v27, v17;
	v17 =	vand.u32 $0xFFFF0000, v31;
	vm8 =	vgt.s32 v26, $0xC7FF  }
0x4a: {  	v40 =	vadd.s32 v28, v23;
	v31 =	vsel vm8, $0xFFFF3800, v1;
	vm10 =	vgt.s32 v30, $0xC7FF  }
0x4b: {  	v19 =	vadd.s32 s14, v0;
	v28 =	vadd.s32 s14, v8;
	v41 =	vsel vm9, v17, v24  }
.Ltmp0:
0x4c: {  	v24 =	vadd.s32 s14, v5;
	v17 =	vadd.s32 s14, v6;
	v35 =	vshll.u32 v36, $0x10;
	v32 =	vld.idx.msk [tilespmem:v20+s2+$0x0], $0xffff;
	(pc) =	sbr.rel @p0 .LBB2_2-.Ltmp0, $4  }
0x4d: {  	v42 =	vsel vm7, v22, v29;
	v23 =	vadd.s32 s14, v3;
	v27 =	vadd.s32 s14, v2;
	v33 =	vld.idx.msk [tilespmem:v33+s2+$0x0], $0xffff  }
0x4e: {  	vm11 =	vgt.s32 v16, $0xC7FF;
	v36 =	vand.u32 $0xFFFF0000, v36;
	v29 =	vld.idx.msk [tilespmem:v37+s2+$0x0], $0xffff;
	v37 =	vsel vm10, $0xFFFF3800, v1  }
0x4f: {  	v22 =	vadd.s32 v39, v34;
	v14 =	vadd.f32 v41, v14;
	v20 =	vld.idx.msk [tilespmem:v38+s7+$0x0], $0xffff;
	v34 =	vadd.s32 v30, v37  }
0x50: {  	v15 =	vadd.f32 v42, v15;
	v31 =	vadd.s32 v26, v31;
	v30 =	vsel vm11, $0xFFFF3800, v1;
	v26 =	vld.idx.msk [tilespmem:v40+s2+$0x0], $0xffff  }
0x51: {  	_ =	sdelay $0x3  }
0x52: {  	v35 =	vsel vm1, v36, v35;
	v57 =	vand.u32 $0xFFFF0000, v25;
	v28 =	vld.idx.msk [tilespmem:v28+s7+$0x0], $0xffff  }
0x53: {  	v58 =	vshll.u32 v25, $0x10;
	vm9 =	vmmov vm8;
	vm8 =	vmmov vm10;
	v21 =	vld.idx.msk [tilespmem:v21+s7+$0x0], $0xffff  }
0x54: {  	vm7 =	vmmov vm11;
	v37 =	vand.u32 $0xFFFF0000, v32;
	v59 =	vshll.u32 v32, $0x10;
	v34 =	vld.idx.msk [tilespmem:v34+s2+$0x0], $0xffff  }
0x55: {  	v27 =	vld.idx.msk [tilespmem:v27+s7+$0x0], $0xffff;
	v16 =	vadd.s32 v16, v30;
	v38 =	vand.u32 $0xFFFF0000, v33;
	v60 =	vshll.u32 v33, $0x10  }
0x56: {  	v24 =	vld.idx.msk [tilespmem:v24+s7+$0x0], $0xffff;
	v9 =	vadd.f32 v35, v9;
	v32 =	vsel vm4, v37, v59;
	v25 =	vsel vm2, v57, v58  }
0x57: {  	v63 =	vld.idx.msk [tilespmem:v31+s2+$0x0], $0xffff;
	vm2 =	vmmov vm3;
	v61 =	vand.u32 $0xFFFF0000, v29;
	v33 =	vsel vm5, v38, v60  }
0x58: {  	v19 =	vld.idx.msk [tilespmem:v19+s7+$0x0], $0xffff;
	v62 =	vshll.u32 v29, $0x10;
	v12 =	vadd.f32 v32, v12;
	v18 =	vadd.f32 v25, v18  }
0x59: {  	v23 =	vld.idx.msk [tilespmem:v23+s7+$0x0], $0xffff;
	v11 =	vadd.f32 v33, v11;
	v29 =	vsel vm6, v61, v62;
	vm1 =	vgt.s32 v20, $0xC7FF  }
0x5a: {  	v17 =	vld.idx.msk [tilespmem:v17+s7+$0x0], $0xffff;
	v10 =	vadd.f32 v29, v10;
	v35 =	vand.u32 $0xFFFF0000, v26;
	v36 =	vshll.u32 v26, $0x10  }
0x5b: {  	v22 =	vld.idx.msk [tilespmem:v22+s2+$0x0], $0xffff;
	v38 =	vsel vm1, $0xFFFF3800, v1;
	vm12 =	vgt.s32 v28, $0xC7FF;
	v26 =	vsel vm0, v35, v36  }
0x5c: {  	vm4 =	vgt.s32 v21, $0xC7FF;
	v37 =	vand.u32 $0xFFFF0000, v34;
	vm3 =	vgt.s32 v24, $0xC7FF  }
0x5d: {  	vm5 =	vgt.s32 v27, $0xC7FF;
	v41 =	vadd.s32 v20, v38;
	v42 =	vshll.u32 v34, $0x10  }
0x5e: {  	v45 =	vshll.u32 v63, $0x10;
	vm13 =	vgt.s32 v19, $0xC7FF;
	v25 =	vand.u32 $0xFFFF0000, v63  }
0x5f: {  	vm14 =	vgt.s32 v23, $0xC7FF;
	vm15 =	vgt.s32 v17, $0xC7FF;
	v40 =	vsel vm4, $0xFFFF3800, v1  }
0x60: {  	v51 =	vand.u32 $0xFFFF0000, v22;
	v43 =	vsel vm5, $0xFFFF3800, v1;
	v21 =	vadd.s32 v21, v40  }
0x61: {  	v13 =	vadd.f32 v26, v13;
	v46 =	vsel vm13, $0xFFFF3800, v1;
	v26 =	vadd.s32 v27, v43  }
0x62: {  	v22 =	vshll.u32 v22, $0x10;
	v48 =	vsel vm14, $0xFFFF3800, v1;
	v19 =	vadd.s32 v19, v46  }
0x63: {  	v16 =	vld.idx.msk [tilespmem:v16+s2+$0x0], $0xffff;
	vm0 =	vmmov vm12;
	v44 =	vsel vm3, $0xFFFF3800, v1;
	v23 =	vadd.s32 v23, v48  }
0x64: {  	v25 =	vsel vm9, v25, v45;
	v29 =	vsel vm8, v37, v42;
	v50 =	vsel vm15, $0xFFFF3800, v1;
	v20 =	vld.idx.msk [tilespmem:v41+s2+$0x0], $0xffff  }
0x65: {  	vm12 =	vmmov vm13;
	vm13 =	vmmov vm15;
	v24 =	vadd.s32 v24, v44;
	v21 =	vld.idx.msk [tilespmem:v21+s2+$0x0], $0xffff  }
0x66: {  	vm14 =	vmmov vm14;
	v22 =	vsel vm2, v51, v22;
	v17 =	vadd.s32 v17, v50;
	v26 =	vld.idx.msk [tilespmem:v26+s2+$0x0], $0xffff  }
0x67: {  	vm15 =	vmmov vm3;
	v39 =	vsel vm0, $0xFFFF3800, v1;
	v14 =	vadd.f32 v25, v14;
	v19 =	vld.idx.msk [tilespmem:v19+s2+$0x0], $0xffff  }
0x68: {  	v47 =	vadd.s32 v28, v39;
	v49 =	vshll.u32 v16, $0x10;
	v16 =	vand.u32 $0xFFFF0000, v16;
	v23 =	vld.idx.msk [tilespmem:v23+s2+$0x0], $0xffff  }
0x69: {  	v15 =	vadd.f32 v29, v15;
	v18 =	vadd.f32 v22, v18;
	v16 =	vsel vm7, v16, v49  }
0x6a: {  	v9 =	vadd.f32 v16, v9;
	v56 =	vld.idx.msk [tilespmem:v24+s2+$0x0], $0xffff;
	v52 =	vand.u32 $0xFFFF0000, v20;
	v20 =	vshll.u32 v20, $0x10  }
0x6b: {  	v17 =	vld.idx.msk [tilespmem:v17+s2+$0x0], $0xffff;
	v53 =	vand.u32 $0xFFFF0000, v21;
	v21 =	vshll.u32 v21, $0x10;
	v55 =	vand.u32 $0xFFFF0000, v26  }
0x6c: {  	v26 =	vshll.u32 v26, $0x10;
	v57 =	vshll.u32 v19, $0x10;
	v19 =	vand.u32 $0xFFFF0000, v19  }
0x6d: {  	v58 =	vld.idx.msk [tilespmem:v47+s2+$0x0], $0xffff;
	v59 =	vshll.u32 v23, $0x10;
	v23 =	vand.u32 $0xFFFF0000, v23;
	v19 =	vsel vm12, v19, v57  }
0x6e: {  	v54 =	vsel vm4, v53, v21;
	v21 =	vsel vm5, v55, v26;
	v14 =	vadd.f32 v19, v14  }
0x6f: {  	v61 =	vand.u32 $0xFFFF0000, v56;
	v60 =	vsel vm14, v23, v59;
	v10 =	vadd.f32 v21, v10  }
0x70: {  	v16 =	vshll.u32 v56, $0x10;
	v62 =	vand.u32 $0xFFFF0000, v17;
	v9 =	vadd.f32 v60, v9;
	[tilespmem:$0x12C00] =	vst v14  }
0x71: {  	v17 =	vshll.u32 v17, $0x10;
	v16 =	vsel vm15, v61, v16;
	v11 =	vadd.f32 v54, v11;
	[tilespmem:$0x12C10] =	vst v10  }
0x72: {  	v63 =	vshll.u32 v58, $0x10;
	v16 =	vadd.f32 v16, v18;
	v14 =	vsel vm13, v62, v17;
	[tilespmem:$0x12C20] =	vst v9  }
0x73: {  	v10 =	vsel vm1, v52, v20;
	v9 =	vand.u32 $0xFFFF0000, v58;
	[tilespmem:$0x12C30] =	vst v11;
	v14 =	vadd.f32 v14, v15  }
0x74: {  	[tilespmem:$0x12C40] =	vst v16;
	v10 =	vadd.f32 v10, v12;
	v9 =	vsel vm0, v9, v63  }
0x75: {  	s12 =	sadd.s32 $0x1, s12;
	v9 =	vadd.f32 v9, v13;
	[tilespmem:$0x12C50] =	vst v14  }
0x76: {  	p0 =	sne.s32 s12, s6;
	[tilespmem:$0x12C60] =	vst v10  }
.Ltmp1:
0x77: {  	[tilespmem:$0x12C70] =	vst v9;
	(pc) =	sbr.rel @p0 .LBB2_1-.Ltmp1, $4  }
0x78: {  	[hbm4b:s5+s2] =	stream.linear.scatter [tilespmem:s10], [sflag:$0x3], $0x80, $0x38;
	[tilespmem:$0x12C80] =	vst v63  }
0x79: {  	_ =	swait.ge [sflag:s11], $0x80  }
0x7a: {  	[sflag:s11] =	ssyncset.done $0x0  }
0x7b: {  	[sflag:s11] =	ssyncadd.s32 $0xFFFFFF80  }
0x7c: {  	_ =	sfence.sel $0x180000  }
0x7d: {  	[bflag:$0x0] =	sbarrier.arrive $0xFFFF  }
0x7e: {  	p0 =	sne.s32 s0, $0x0;
	_ =	strace $0x9000004A  }
0x7f: {  	s0 =	sadd.s32 @!p0 $0x100000, s1;
	[bflag:$0x2] =	sbarrier.arrive $0xFFFF  }
0x80: {  	[sflag:s0] =	ssyncadd.tile.s32 @!p0 $0x1;
	_ =	shalt  }
.Lfunc_end2:
_tile_overlayer_lowered:
.L_overlay_start_2:
0x81: {  	(tag) =	ssettag $0x2  }
0x82: {  	s0 =	rddreg [dreg:$0x0];
	s2 =	stileid.u32  }
0x83: {  	s1 =	rddreg [dreg:$0x1];
	p0 =	sne.s32 s2, $0x0  }
0x84: {  	s3 =	rddreg [dreg:$0x2];
	[bflag:$0x3] =	sbarrier.arrive $0xFFFF;
	s2 =	simm.s32 @!p0 $0x1C03  }
0x85: {  	[timem:s3], [sflag:s2] =	dma.local @!p0 [hbm:s0], s1  }
0x86: {  	s0 =	simm.s32 @!p0 $0x3  }
0x87: {  	_ =	swait.ge @!p0 [sflag:s0], s1  }
0x88: {  	s1 =	ssub.s32 @!p0 $0x0, s1;
	[sflag:s0] =	ssyncset.done @!p0 $0x0  }
0x89: {  	[sflag:s0] =	ssyncadd.s32 @!p0 s1  }
0x8a: {  	[bflag:$0x3] =	sbarrier.arrive $0xFFFF  }
0x8b: {  	_ =	shalt  }

</sc_bundles>
